<compile_context>
chip_gen: v7x
topology: tpu7x:2x2x1
jax: 0.10.2.dev20260603
libtpu: 0.0.44.dev20260713+nightly
codegen_flags: <defaults>
</compile_context>

<pallas_src>
import functools

import jax
import jax.numpy as jnp
from jax import lax
from jax.experimental import pallas as pl
from jax.experimental.pallas import tpu as pltpu
from jax.experimental.pallas import tpu_sc as plsc

N = 10000
E = 320000
D_IN = 128
D_H = 32

NC = 2
NS = 16
NW = NC * NS

BLK = 2560
BPW = 4
TOTB = NW * BPW
EPAD = TOTB * BLK
NROWS = 10112
RPT = NROWS // NS
TRASH = N
DEGW = 16

_f32 = jnp.float32
_bf16 = jnp.bfloat16
_mesh = plsc.VectorSubcoreMesh(core_axis_name="c", subcore_axis_name="s")
_sc_params = pltpu.CompilerParams(use_tc_tiling_on_sc=False)



def _deg_body(dstb, zdeg, ones_hbm, out, idx_d, ones_v, acc):
    c = lax.axis_index("c")
    s = lax.axis_index("s")
    w = c * NS + s
    r0 = s * RPT
    pltpu.sync_copy(zdeg.at[pl.ds(r0, RPT)], acc.at[pl.ds(r0, RPT)])
    pltpu.sync_copy(ones_hbm, ones_v)
    pltpu.sync_copy(dstb.at[pl.ds(w * BPW, BPW)], idx_d)
    plsc.subcore_barrier()

    def body(j, carry):
        pltpu.sync_copy(ones_v, acc.at[idx_d.at[j]], add=True)
        return carry

    lax.fori_loop(0, BPW, body, 0, unroll=False)
    plsc.subcore_barrier()
    pltpu.sync_copy(acc.at[pl.ds(r0, RPT)], out.at[c, pl.ds(r0, RPT)])


_deg_call = functools.partial(
    pl.kernel,
    out_type=jax.ShapeDtypeStruct((NC, NROWS, DEGW), _bf16),
    mesh=_mesh,
    compiler_params=_sc_params,
    scratch_types=[
        pltpu.VMEM((BPW, BLK), jnp.int32),
        pltpu.VMEM((BLK, DEGW), _bf16),
        pltpu.VMEM_SHARED((NROWS, DEGW), _bf16),
    ],
)(_deg_body)


BPW0 = 7
BPW1 = BPW * 2 - BPW0
BPWMAX = max(BPW0, BPW1)


def _agg_body(g_hbm, srcb, dstb, zacc, out, idx_s, idx_d, rows, acc, sem):
    c = lax.axis_index("c")
    s = lax.axis_index("s")
    r0 = s * RPT
    b0 = jnp.where(c == 0, s * BPW0, NS * BPW0 + s * BPW1)
    nb = jnp.where(c == 0, BPW0, BPW1)
    pltpu.sync_copy(zacc.at[pl.ds(r0, RPT)], acc.at[pl.ds(r0, RPT)])
    pltpu.sync_copy(srcb.at[pl.ds(b0, BPWMAX)], idx_s)
    pltpu.sync_copy(dstb.at[pl.ds(b0, BPWMAX)], idx_d)
    plsc.subcore_barrier()

    def body(j, carry):
        pltpu.async_copy(g_hbm.at[idx_s.at[j]], rows, sem).wait()
        pltpu.sync_copy(rows, acc.at[idx_d.at[j]], add=True)
        return carry

    lax.fori_loop(0, nb, body, 0, unroll=False)
    plsc.subcore_barrier()
    pltpu.sync_copy(acc.at[pl.ds(r0, RPT)], out.at[c, pl.ds(r0, RPT)])


_agg_call = functools.partial(
    pl.kernel,
    out_type=jax.ShapeDtypeStruct((NC, NROWS, D_H), _bf16),
    mesh=_mesh,
    compiler_params=_sc_params,
    scratch_types=[
        pltpu.VMEM((BPWMAX, BLK), jnp.int32),
        pltpu.VMEM((BPWMAX, BLK), jnp.int32),
        pltpu.VMEM((BLK, D_H), _bf16),
        pltpu.VMEM_SHARED((NROWS, D_H), _bf16),
        pltpu.SemaphoreType.DMA,
    ],
)(_agg_body)



def _g_body(x_ref, w_ref, degp_ref, g_ref, dinv_ref):
    dsum = degp_ref[0].astype(_f32) + degp_ref[1].astype(_f32)
    deg = jnp.sum(dsum[:N], axis=1, keepdims=True) * (1.0 / DEGW) + 1.0
    dinv = lax.rsqrt(jnp.maximum(deg, 1.0))
    dinv_ref[...] = dinv
    h1 = jnp.dot(x_ref[...], w_ref[...], preferred_element_type=_f32)
    g_ref[...] = (h1 * dinv).astype(_bf16)


def _g_call(x, W1, degp):
    return pl.pallas_call(
        _g_body,
        out_shape=(
            jax.ShapeDtypeStruct((N, D_H), _bf16),
            jax.ShapeDtypeStruct((N, 1), _f32),
        ),
    )(x, W1, degp)


def _mid_body(p_ref, g_ref, dinv_ref, b_ref, w_ref, o_ref):
    p = p_ref[0].astype(_f32)[:N] + p_ref[1].astype(_f32)[:N]
    agg = p + g_ref[...].astype(_f32)
    out1 = agg * dinv_ref[...] + b_ref[...]
    h2 = jnp.maximum(out1, 0.0)
    g2 = jnp.dot(h2, w_ref[...], preferred_element_type=_f32) * dinv_ref[...]
    o_ref[...] = g2.astype(_bf16)


def _mid_call(p1, g1, dinv, b1, W2):
    return pl.pallas_call(
        _mid_body,
        out_shape=jax.ShapeDtypeStruct((N, D_H), _bf16),
    )(p1, g1, dinv, b1.reshape(1, D_H), W2)


def _out_body(p_ref, g_ref, dinv_ref, b_ref, o_ref):
    p = p_ref[0].astype(_f32)[:N] + p_ref[1].astype(_f32)[:N]
    agg = p + g_ref[...].astype(_f32)
    o_ref[...] = agg * dinv_ref[...] + b_ref[...]


def _out_call(p2, g2, dinv, b2):
    return pl.pallas_call(
        _out_body,
        out_shape=jax.ShapeDtypeStruct((N, D_H), _f32),
    )(p2, g2, dinv, b2.reshape(1, D_H))



def kernel(x, edge_index, W1, b1, W2, b2):
    pad = EPAD - E
    srcp = jnp.concatenate(
        [edge_index[0], jnp.zeros((pad,), jnp.int32)]).reshape(TOTB, BLK)
    trash = TRASH + jnp.arange(pad, dtype=jnp.int32) % (NROWS - N)
    dstp = jnp.concatenate([edge_index[1], trash]).reshape(TOTB, BLK)
    zacc = jnp.zeros((NROWS, D_H), _bf16)
    zdeg = jnp.zeros((NROWS, DEGW), _bf16)
    ones = jnp.ones((BLK, DEGW), _bf16)

    degp = _deg_call(dstp, zdeg, ones)
    g1, dinv = _g_call(x, W1, degp)
    p1 = _agg_call(g1, srcp, dstp, zacc)
    g2 = _mid_call(p1, g1, dinv, b1, W2)
    p2 = _agg_call(g2, srcp, dstp, zacc)
    return _out_call(p2, g2, dinv, b2)

# --- scband reference (transcript-rebuilt; emitter-appended) ---
"""Pipeline reference for scband-gcn-18820546691595 (READ-ONLY COPY).

The authoritative reference and input builder live on the scoring server;
editing this copy changes nothing except your own understanding.
"""

import jax, jax.numpy as jnp
import numpy as np

N = 10000
E = 320000
D_IN = 128
D_H = 32


def setup_inputs(seed: int = 0) -> dict:
    key = jax.random.key(seed)
    k1, k2, k3, k4 = jax.random.split(key, 4)
    x = jax.random.normal(k1, (N, D_IN), dtype=jnp.float32)
    edge_index = jax.random.randint(k2, (2, E), 0, N, dtype=jnp.int32)
    W1 = jax.random.normal(k3, (D_IN, D_H), dtype=jnp.float32) * (1.0 / np.sqrt(D_IN))
    b1 = jnp.zeros((D_H,), dtype=jnp.float32)
    W2 = jax.random.normal(k4, (D_H, D_H), dtype=jnp.float32) * (1.0 / np.sqrt(D_H))
    b2 = jnp.zeros((D_H,), dtype=jnp.float32)
    return {"x": x, "edge_index": edge_index, "W1": W1, "b1": b1, "W2": W2, "b2": b2}


def _gcn_layer(x, src, dst, W, b):
    # GCNConv: D^{-1/2} (A + I) D^{-1/2} X W + b  (self-loops already appended to src/dst)
    h = x @ W
    deg = jax.ops.segment_sum(jnp.ones_like(dst, dtype=h.dtype), dst, num_segments=N)
    dinv = jax.lax.rsqrt(jnp.maximum(deg, 1.0))
    norm = dinv[src] * dinv[dst]
    msg = h[src] * norm[:, None]
    out = jax.ops.segment_sum(msg, dst, num_segments=N)
    return out + b


def reference(x, edge_index, W1, b1, W2, b2):
    loops = jnp.arange(N, dtype=edge_index.dtype)
    src = jnp.concatenate([edge_index[0], loops])
    dst = jnp.concatenate([edge_index[1], loops])
    h = _gcn_layer(x, src, dst, W1, b1)
    h = jax.nn.relu(h)
    out = _gcn_layer(h, src, dst, W2, b2)
    return out

if __name__ == "__main__":
    import jax
    _d = setup_inputs()
    print(jax.jit(kernel)(*tuple(_d.values())))

</pallas_src>

<mosaic_0001>
#map = affine_map<(d0, d1) -> (0, 0)>
#map1 = affine_map<(d0, d1) -> (0, 0, 0)>
module attributes {stable_mosaic.version = 14 : i64} {
  func.func @_deg_body(%arg0: i32, %arg1: i32, %arg2: memref<128x2560xi32, #tpu.memory_space<hbm>>, %arg3: memref<10112x16xbf16, #tpu.memory_space<hbm>>, %arg4: memref<2560x16xbf16, #tpu.memory_space<hbm>>, %arg5: memref<2x10112x16xbf16, #tpu.memory_space<hbm>>, %arg6: memref<4x2560xi32, #tpu.memory_space<vmem>>, %arg7: memref<2560x16xbf16, #tpu.memory_space<vmem>>, %arg8: memref<10112x16xbf16, #tpu.memory_space<vmem_shared>>) attributes {dimension_semantics = [#tpu.dimension_semantics<core_parallel>, #tpu.dimension_semantics<subcore_parallel>], iteration_bounds = array<i64: 2, 16>, scalar_prefetch = 0 : i64, scratch_operands = 3 : i64, tpu.core_type = #tpu.core_type<sc_vector_subcore>, window_params = [{transform_indices = #map}, {transform_indices = #map}, {transform_indices = #map}, {transform_indices = #map1}]} {
    %mul3A = arith.constant 16 : i32
    %mul3A_0 = arith.muli %arg0, %mul3A : i32
    %add3A = arith.addi %mul3A_0, %arg1 : i32
    %mul3A_1 = arith.constant 632 : i32
    %mul3A_2 = arith.muli %arg1, %mul3A_1 : i32
    "tpu.region"() ({
      %run_scoped3A = tpu.sem_alloc : memref<!tpu.dma_semaphore, #tpu.memory_space<semaphore_mem>>
      %dma_start3A = arith.constant 0 : i32
      %dma_start3A_11 = tpu.memref_slice %arg8[%mul3A_2, %dma_start3A] : memref<10112x16xbf16, #tpu.memory_space<vmem_shared>> -> memref<632x16xbf16, #tpu.memory_space<vmem_shared>>
      %dma_start3A_12 = arith.constant 0 : i32
      %dma_start3A_13 = tpu.memref_slice %arg3[%mul3A_2, %dma_start3A_12] : memref<10112x16xbf16, #tpu.memory_space<hbm>> -> memref<632x16xbf16, #tpu.memory_space<hbm>>
      tpu.enqueue_dma source(%dma_start3A_13 : memref<632x16xbf16, #tpu.memory_space<hbm>>) target(%dma_start3A_11 : memref<632x16xbf16, #tpu.memory_space<vmem_shared>>) target_semaphore(%run_scoped3A : memref<!tpu.dma_semaphore, #tpu.memory_space<semaphore_mem>>)
      %dma_wait3A = arith.constant 0 : i32
      %dma_wait3A_14 = tpu.memref_slice %arg8[%mul3A_2, %dma_wait3A] : memref<10112x16xbf16, #tpu.memory_space<vmem_shared>> -> memref<632x16xbf16, #tpu.memory_space<vmem_shared>>
      %dma_wait3A_15 = arith.constant 0 : i32
      %dma_wait3A_16 = tpu.memref_slice %arg3[%mul3A_2, %dma_wait3A_15] : memref<10112x16xbf16, #tpu.memory_space<hbm>> -> memref<632x16xbf16, #tpu.memory_space<hbm>>
      tpu.wait_dma2 semaphore(%run_scoped3A : memref<!tpu.dma_semaphore, #tpu.memory_space<semaphore_mem>>) src(%dma_wait3A_16 : memref<632x16xbf16, #tpu.memory_space<hbm>>) dst(%dma_wait3A_14 : memref<632x16xbf16, #tpu.memory_space<vmem_shared>>)
      tpu.yield
    }) : () -> ()
    "tpu.region"() ({
      %run_scoped3A = tpu.sem_alloc : memref<!tpu.dma_semaphore, #tpu.memory_space<semaphore_mem>>
      tpu.enqueue_dma source(%arg4 : memref<2560x16xbf16, #tpu.memory_space<hbm>>) target(%arg7 : memref<2560x16xbf16, #tpu.memory_space<vmem>>) target_semaphore(%run_scoped3A : memref<!tpu.dma_semaphore, #tpu.memory_space<semaphore_mem>>)
      tpu.wait_dma2 semaphore(%run_scoped3A : memref<!tpu.dma_semaphore, #tpu.memory_space<semaphore_mem>>) src(%arg4 : memref<2560x16xbf16, #tpu.memory_space<hbm>>) dst(%arg7 : memref<2560x16xbf16, #tpu.memory_space<vmem>>)
      tpu.yield
    }) : () -> ()
    %mul3A_3 = arith.constant 4 : i32
    %mul3A_4 = arith.muli %add3A, %mul3A_3 : i32
    "tpu.region"() ({
      %run_scoped3A = tpu.sem_alloc : memref<!tpu.dma_semaphore, #tpu.memory_space<semaphore_mem>>
      %dma_start3A = arith.constant 0 : i32
      %dma_start3A_11 = tpu.memref_slice %arg2[%mul3A_4, %dma_start3A] : memref<128x2560xi32, #tpu.memory_space<hbm>> -> memref<4x2560xi32, #tpu.memory_space<hbm>>
      %dma_start3A_12 = arith.constant 0 : i32
      %dma_start3A_13 = tpu.memref_slice %arg2[%mul3A_4, %dma_start3A_12] : memref<128x2560xi32, #tpu.memory_space<hbm>> -> memref<4x2560xi32, #tpu.memory_space<hbm>>
      tpu.enqueue_dma source(%dma_start3A_13 : memref<4x2560xi32, #tpu.memory_space<hbm>>) target(%arg6 : memref<4x2560xi32, #tpu.memory_space<vmem>>) target_semaphore(%run_scoped3A : memref<!tpu.dma_semaphore, #tpu.memory_space<semaphore_mem>>)
      %dma_wait3A = arith.constant 0 : i32
      %dma_wait3A_14 = tpu.memref_slice %arg2[%mul3A_4, %dma_wait3A] : memref<128x2560xi32, #tpu.memory_space<hbm>> -> memref<4x2560xi32, #tpu.memory_space<hbm>>
      %dma_wait3A_15 = arith.constant 0 : i32
      %dma_wait3A_16 = tpu.memref_slice %arg2[%mul3A_4, %dma_wait3A_15] : memref<128x2560xi32, #tpu.memory_space<hbm>> -> memref<4x2560xi32, #tpu.memory_space<hbm>>
      tpu.wait_dma2 semaphore(%run_scoped3A : memref<!tpu.dma_semaphore, #tpu.memory_space<semaphore_mem>>) src(%dma_wait3A_16 : memref<4x2560xi32, #tpu.memory_space<hbm>>) dst(%arg6 : memref<4x2560xi32, #tpu.memory_space<vmem>>)
      tpu.yield
    }) : () -> ()
    %barrier3A = arith.constant 0 : index
    tpu.barrier barrier_id(%barrier3A)
    %scan3A = arith.constant 0 : i32
    %scan3A_5 = arith.constant 0 : i32
    %scan3A_6 = arith.constant 4 : i32
    %scan3A_7 = arith.addi %scan3A_5, %scan3A_6 : i32
    %scan3A_8 = arith.constant 1 : i32
    scf.for %scan3A_11 = %scan3A_5 to %scan3A_7 step %scan3A_8  : i32 {
      "tpu.region"() ({
        %run_scoped3A = tpu.sem_alloc : memref<!tpu.dma_semaphore, #tpu.memory_space<semaphore_mem>>
        %dma_start3A = arith.constant 0 : i32
        %dma_start3A_12 = tpu.memref_slice %arg6[%scan3A_11, %dma_start3A] : memref<4x2560xi32, #tpu.memory_space<vmem>> -> memref<1x2560xi32, #tpu.memory_space<vmem>>
        %dma_start3A_13 = tpu.memref_squeeze %dma_start3A_12 : memref<1x2560xi32, #tpu.memory_space<vmem>> -> memref<2560xi32, #tpu.memory_space<vmem>>
        %dma_start3A_14 = arith.constant 0 : i32
        %dma_start3A_15 = arith.constant 0 : i32
        %dma_start3A_16 = tpu.memref_slice %arg8[%dma_start3A_14, %dma_start3A_15] : memref<10112x16xbf16, #tpu.memory_space<vmem_shared>> -> memref<10112x16xbf16, #tpu.memory_space<vmem_shared>>
        tpu.enqueue_indirect_dma source(%arg7 : memref<2560x16xbf16, #tpu.memory_space<vmem>>) target(%dma_start3A_16 : memref<10112x16xbf16, #tpu.memory_space<vmem_shared>>) offsets(%dma_start3A_13 : memref<2560xi32, #tpu.memory_space<vmem>>) semaphore(%run_scoped3A : memref<!tpu.dma_semaphore, #tpu.memory_space<semaphore_mem>>) {add = true}
        %dma_wait3A = arith.constant 0 : i32
        %dma_wait3A_17 = tpu.memref_slice %arg6[%scan3A_11, %dma_wait3A] : memref<4x2560xi32, #tpu.memory_space<vmem>> -> memref<1x2560xi32, #tpu.memory_space<vmem>>
        %dma_wait3A_18 = tpu.memref_squeeze %dma_wait3A_17 : memref<1x2560xi32, #tpu.memory_space<vmem>> -> memref<2560xi32, #tpu.memory_space<vmem>>
        %dma_wait3A_19 = arith.constant 0 : i32
        %dma_wait3A_20 = arith.constant 0 : i32
        %dma_wait3A_21 = tpu.memref_slice %arg8[%dma_wait3A_19, %dma_wait3A_20] : memref<10112x16xbf16, #tpu.memory_space<vmem_shared>> -> memref<10112x16xbf16, #tpu.memory_space<vmem_shared>>
        tpu.wait_indirect_dma semaphore(%run_scoped3A : memref<!tpu.dma_semaphore, #tpu.memory_space<semaphore_mem>>) src(%arg7 : memref<2560x16xbf16, #tpu.memory_space<vmem>>) dst(%dma_wait3A_21 : memref<10112x16xbf16, #tpu.memory_space<vmem_shared>>)
        tpu.yield
      }) : () -> ()
    }
    %scan3A_9 = arith.constant 4 : i32
    %barrier3A_10 = arith.constant 0 : index
    tpu.barrier barrier_id(%barrier3A_10)
    "tpu.region"() ({
      %run_scoped3A = tpu.sem_alloc : memref<!tpu.dma_semaphore, #tpu.memory_space<semaphore_mem>>
      %dma_start3A = arith.constant 0 : i32
      %dma_start3A_11 = tpu.memref_slice %arg5[%arg0, %mul3A_2, %dma_start3A] : memref<2x10112x16xbf16, #tpu.memory_space<hbm>> -> memref<1x632x16xbf16, #tpu.memory_space<hbm>>
      %dma_start3A_12 = tpu.memref_squeeze %dma_start3A_11 : memref<1x632x16xbf16, #tpu.memory_space<hbm>> -> memref<632x16xbf16, #tpu.memory_space<hbm>>
      %dma_start3A_13 = arith.constant 0 : i32
      %dma_start3A_14 = tpu.memref_slice %arg8[%mul3A_2, %dma_start3A_13] : memref<10112x16xbf16, #tpu.memory_space<vmem_shared>> -> memref<632x16xbf16, #tpu.memory_space<vmem_shared>>
      tpu.enqueue_dma source(%dma_start3A_14 : memref<632x16xbf16, #tpu.memory_space<vmem_shared>>) target(%dma_start3A_12 : memref<632x16xbf16, #tpu.memory_space<hbm>>) target_semaphore(%run_scoped3A : memref<!tpu.dma_semaphore, #tpu.memory_space<semaphore_mem>>)
      %dma_wait3A = arith.constant 0 : i32
      %dma_wait3A_15 = tpu.memref_slice %arg5[%arg0, %mul3A_2, %dma_wait3A] : memref<2x10112x16xbf16, #tpu.memory_space<hbm>> -> memref<1x632x16xbf16, #tpu.memory_space<hbm>>
      %dma_wait3A_16 = tpu.memref_squeeze %dma_wait3A_15 : memref<1x632x16xbf16, #tpu.memory_space<hbm>> -> memref<632x16xbf16, #tpu.memory_space<hbm>>
      %dma_wait3A_17 = arith.constant 0 : i32
      %dma_wait3A_18 = tpu.memref_slice %arg8[%mul3A_2, %dma_wait3A_17] : memref<10112x16xbf16, #tpu.memory_space<vmem_shared>> -> memref<632x16xbf16, #tpu.memory_space<vmem_shared>>
      tpu.wait_dma2 semaphore(%run_scoped3A : memref<!tpu.dma_semaphore, #tpu.memory_space<semaphore_mem>>) src(%dma_wait3A_18 : memref<632x16xbf16, #tpu.memory_space<vmem_shared>>) dst(%dma_wait3A_16 : memref<632x16xbf16, #tpu.memory_space<hbm>>)
      tpu.yield
    }) : () -> ()
    return
  }
}

#map = affine_map<(d0, d1) -> (0, 0)>
#map1 = affine_map<(d0, d1) -> (0, 0, 0)>
module attributes {stable_mosaic.version = 14 : i64} {
  func.func @_agg_body(%arg0: i32, %arg1: i32, %arg2: memref<10000x32xbf16, #tpu.memory_space<hbm>>, %arg3: memref<128x2560xi32, #tpu.memory_space<hbm>>, %arg4: memref<128x2560xi32, #tpu.memory_space<hbm>>, %arg5: memref<10112x32xbf16, #tpu.memory_space<hbm>>, %arg6: memref<2x10112x32xbf16, #tpu.memory_space<hbm>>, %arg7: memref<7x2560xi32, #tpu.memory_space<vmem>>, %arg8: memref<7x2560xi32, #tpu.memory_space<vmem>>, %arg9: memref<2560x32xbf16, #tpu.memory_space<vmem>>, %arg10: memref<10112x32xbf16, #tpu.memory_space<vmem_shared>>, %arg11: memref<!tpu.dma_semaphore, #tpu.memory_space<semaphore_mem>>) attributes {dimension_semantics = [#tpu.dimension_semantics<core_parallel>, #tpu.dimension_semantics<subcore_parallel>], iteration_bounds = array<i64: 2, 16>, scalar_prefetch = 0 : i64, scratch_operands = 5 : i64, tpu.core_type = #tpu.core_type<sc_vector_subcore>, window_params = [{transform_indices = #map}, {transform_indices = #map}, {transform_indices = #map}, {transform_indices = #map}, {transform_indices = #map1}]} {
    %mul3A = arith.constant 632 : i32
    %mul3A_0 = arith.muli %arg1, %mul3A : i32
    %eq3A = arith.constant 0 : i32
    %eq3A_1 = arith.cmpi eq, %arg0, %eq3A : i32
    %mul3A_2 = arith.constant 7 : i32
    %mul3A_3 = arith.muli %arg1, %mul3A_2 : i32
    %mul3A_4 = arith.constant 1 : i32
    %mul3A_5 = arith.muli %arg1, %mul3A_4 : i32
    %add3A = arith.constant 112 : i32
    %add3A_6 = arith.addi %add3A, %mul3A_5 : i32
    %select_n3A = arith.select %eq3A_1, %mul3A_3, %add3A_6 : i32
    %eq3A_7 = arith.constant 0 : i32
    %eq3A_8 = arith.cmpi eq, %arg0, %eq3A_7 : i32
    %jit3A = arith.constant 7 : i32
    %jit3A_9 = arith.constant 1 : i32
    %select_n3A_10 = arith.select %eq3A_8, %jit3A, %jit3A_9 : i32
    "tpu.region"() ({
      %run_scoped3A = tpu.sem_alloc : memref<!tpu.dma_semaphore, #tpu.memory_space<semaphore_mem>>
      %dma_start3A = arith.constant 0 : i32
      %dma_start3A_21 = tpu.memref_slice %arg10[%mul3A_0, %dma_start3A] : memref<10112x32xbf16, #tpu.memory_space<vmem_shared>> -> memref<632x32xbf16, #tpu.memory_space<vmem_shared>>
      %dma_start3A_22 = arith.constant 0 : i32
      %dma_start3A_23 = tpu.memref_slice %arg5[%mul3A_0, %dma_start3A_22] : memref<10112x32xbf16, #tpu.memory_space<hbm>> -> memref<632x32xbf16, #tpu.memory_space<hbm>>
      tpu.enqueue_dma source(%dma_start3A_23 : memref<632x32xbf16, #tpu.memory_space<hbm>>) target(%dma_start3A_21 : memref<632x32xbf16, #tpu.memory_space<vmem_shared>>) target_semaphore(%run_scoped3A : memref<!tpu.dma_semaphore, #tpu.memory_space<semaphore_mem>>)
      %dma_wait3A = arith.constant 0 : i32
      %dma_wait3A_24 = tpu.memref_slice %arg10[%mul3A_0, %dma_wait3A] : memref<10112x32xbf16, #tpu.memory_space<vmem_shared>> -> memref<632x32xbf16, #tpu.memory_space<vmem_shared>>
      %dma_wait3A_25 = arith.constant 0 : i32
      %dma_wait3A_26 = tpu.memref_slice %arg5[%mul3A_0, %dma_wait3A_25] : memref<10112x32xbf16, #tpu.memory_space<hbm>> -> memref<632x32xbf16, #tpu.memory_space<hbm>>
      tpu.wait_dma2 semaphore(%run_scoped3A : memref<!tpu.dma_semaphore, #tpu.memory_space<semaphore_mem>>) src(%dma_wait3A_26 : memref<632x32xbf16, #tpu.memory_space<hbm>>) dst(%dma_wait3A_24 : memref<632x32xbf16, #tpu.memory_space<vmem_shared>>)
      tpu.yield
    }) : () -> ()
    "tpu.region"() ({
      %run_scoped3A = tpu.sem_alloc : memref<!tpu.dma_semaphore, #tpu.memory_space<semaphore_mem>>
      %dma_start3A = arith.constant 0 : i32
      %dma_start3A_21 = tpu.memref_slice %arg3[%select_n3A, %dma_start3A] : memref<128x2560xi32, #tpu.memory_space<hbm>> -> memref<7x2560xi32, #tpu.memory_space<hbm>>
      %dma_start3A_22 = arith.constant 0 : i32
      %dma_start3A_23 = tpu.memref_slice %arg3[%select_n3A, %dma_start3A_22] : memref<128x2560xi32, #tpu.memory_space<hbm>> -> memref<7x2560xi32, #tpu.memory_space<hbm>>
      tpu.enqueue_dma source(%dma_start3A_23 : memref<7x2560xi32, #tpu.memory_space<hbm>>) target(%arg7 : memref<7x2560xi32, #tpu.memory_space<vmem>>) target_semaphore(%run_scoped3A : memref<!tpu.dma_semaphore, #tpu.memory_space<semaphore_mem>>)
      %dma_wait3A = arith.constant 0 : i32
      %dma_wait3A_24 = tpu.memref_slice %arg3[%select_n3A, %dma_wait3A] : memref<128x2560xi32, #tpu.memory_space<hbm>> -> memref<7x2560xi32, #tpu.memory_space<hbm>>
      %dma_wait3A_25 = arith.constant 0 : i32
      %dma_wait3A_26 = tpu.memref_slice %arg3[%select_n3A, %dma_wait3A_25] : memref<128x2560xi32, #tpu.memory_space<hbm>> -> memref<7x2560xi32, #tpu.memory_space<hbm>>
      tpu.wait_dma2 semaphore(%run_scoped3A : memref<!tpu.dma_semaphore, #tpu.memory_space<semaphore_mem>>) src(%dma_wait3A_26 : memref<7x2560xi32, #tpu.memory_space<hbm>>) dst(%arg7 : memref<7x2560xi32, #tpu.memory_space<vmem>>)
      tpu.yield
    }) : () -> ()
    "tpu.region"() ({
      %run_scoped3A = tpu.sem_alloc : memref<!tpu.dma_semaphore, #tpu.memory_space<semaphore_mem>>
      %dma_start3A = arith.constant 0 : i32
      %dma_start3A_21 = tpu.memref_slice %arg4[%select_n3A, %dma_start3A] : memref<128x2560xi32, #tpu.memory_space<hbm>> -> memref<7x2560xi32, #tpu.memory_space<hbm>>
      %dma_start3A_22 = arith.constant 0 : i32
      %dma_start3A_23 = tpu.memref_slice %arg4[%select_n3A, %dma_start3A_22] : memref<128x2560xi32, #tpu.memory_space<hbm>> -> memref<7x2560xi32, #tpu.memory_space<hbm>>
      tpu.enqueue_dma source(%dma_start3A_23 : memref<7x2560xi32, #tpu.memory_space<hbm>>) target(%arg8 : memref<7x2560xi32, #tpu.memory_space<vmem>>) target_semaphore(%run_scoped3A : memref<!tpu.dma_semaphore, #tpu.memory_space<semaphore_mem>>)
      %dma_wait3A = arith.constant 0 : i32
      %dma_wait3A_24 = tpu.memref_slice %arg4[%select_n3A, %dma_wait3A] : memref<128x2560xi32, #tpu.memory_space<hbm>> -> memref<7x2560xi32, #tpu.memory_space<hbm>>
      %dma_wait3A_25 = arith.constant 0 : i32
      %dma_wait3A_26 = tpu.memref_slice %arg4[%select_n3A, %dma_wait3A_25] : memref<128x2560xi32, #tpu.memory_space<hbm>> -> memref<7x2560xi32, #tpu.memory_space<hbm>>
      tpu.wait_dma2 semaphore(%run_scoped3A : memref<!tpu.dma_semaphore, #tpu.memory_space<semaphore_mem>>) src(%dma_wait3A_26 : memref<7x2560xi32, #tpu.memory_space<hbm>>) dst(%arg8 : memref<7x2560xi32, #tpu.memory_space<vmem>>)
      tpu.yield
    }) : () -> ()
    %barrier3A = arith.constant 0 : index
    tpu.barrier barrier_id(%barrier3A)
    %while3A = arith.constant 0 : i32
    %while3A_11 = arith.constant 0 : i32
    %while3A_12 = arith.subi %select_n3A_10, %while3A_11 : i32
    %while3A_13 = arith.addi %while3A_11, %while3A_12 : i32
    %while3A_14 = arith.constant 1 : i32
    %while3A_15 = arith.divsi %while3A_12, %while3A_14 : i32
    %while3A_16 = arith.muli %while3A_15, %while3A_14 : i32
    %while3A_17 = arith.addi %while3A_11, %while3A_16 : i32
    %while3A_18 = arith.constant 1 : i32
    scf.for %while3A_21 = %while3A_11 to %while3A_17 step %while3A_18  : i32 {
      %dma_start3A = arith.constant 0 : i32
      %dma_start3A_22 = tpu.memref_slice %arg7[%while3A_21, %dma_start3A] : memref<7x2560xi32, #tpu.memory_space<vmem>> -> memref<1x2560xi32, #tpu.memory_space<vmem>>
      %dma_start3A_23 = tpu.memref_squeeze %dma_start3A_22 : memref<1x2560xi32, #tpu.memory_space<vmem>> -> memref<2560xi32, #tpu.memory_space<vmem>>
      %dma_start3A_24 = arith.constant 0 : i32
      %dma_start3A_25 = arith.constant 0 : i32
      %dma_start3A_26 = tpu.memref_slice %arg2[%dma_start3A_24, %dma_start3A_25] : memref<10000x32xbf16, #tpu.memory_space<hbm>> -> memref<10000x32xbf16, #tpu.memory_space<hbm>>
      tpu.enqueue_indirect_dma source(%dma_start3A_26 : memref<10000x32xbf16, #tpu.memory_space<hbm>>) target(%arg9 : memref<2560x32xbf16, #tpu.memory_space<vmem>>) offsets(%dma_start3A_23 : memref<2560xi32, #tpu.memory_space<vmem>>) semaphore(%arg11 : memref<!tpu.dma_semaphore, #tpu.memory_space<semaphore_mem>>)
      %dma_wait3A = arith.constant 0 : i32
      %dma_wait3A_27 = tpu.memref_slice %arg7[%while3A_21, %dma_wait3A] : memref<7x2560xi32, #tpu.memory_space<vmem>> -> memref<1x2560xi32, #tpu.memory_space<vmem>>
      %dma_wait3A_28 = tpu.memref_squeeze %dma_wait3A_27 : memref<1x2560xi32, #tpu.memory_space<vmem>> -> memref<2560xi32, #tpu.memory_space<vmem>>
      %dma_wait3A_29 = arith.constant 0 : i32
      %dma_wait3A_30 = arith.constant 0 : i32
      %dma_wait3A_31 = tpu.memref_slice %arg2[%dma_wait3A_29, %dma_wait3A_30] : memref<10000x32xbf16, #tpu.memory_space<hbm>> -> memref<10000x32xbf16, #tpu.memory_space<hbm>>
      tpu.wait_indirect_dma semaphore(%arg11 : memref<!tpu.dma_semaphore, #tpu.memory_space<semaphore_mem>>) src(%dma_wait3A_31 : memref<10000x32xbf16, #tpu.memory_space<hbm>>) dst(%arg9 : memref<2560x32xbf16, #tpu.memory_space<vmem>>)
      "tpu.region"() ({
        %run_scoped3A = tpu.sem_alloc : memref<!tpu.dma_semaphore, #tpu.memory_space<semaphore_mem>>
        %dma_start3A_32 = arith.constant 0 : i32
        %dma_start3A_33 = tpu.memref_slice %arg8[%while3A_21, %dma_start3A_32] : memref<7x2560xi32, #tpu.memory_space<vmem>> -> memref<1x2560xi32, #tpu.memory_space<vmem>>
        %dma_start3A_34 = tpu.memref_squeeze %dma_start3A_33 : memref<1x2560xi32, #tpu.memory_space<vmem>> -> memref<2560xi32, #tpu.memory_space<vmem>>
        %dma_start3A_35 = arith.constant 0 : i32
        %dma_start3A_36 = arith.constant 0 : i32
        %dma_start3A_37 = tpu.memref_slice %arg10[%dma_start3A_35, %dma_start3A_36] : memref<10112x32xbf16, #tpu.memory_space<vmem_shared>> -> memref<10112x32xbf16, #tpu.memory_space<vmem_shared>>
        tpu.enqueue_indirect_dma source(%arg9 : memref<2560x32xbf16, #tpu.memory_space<vmem>>) target(%dma_start3A_37 : memref<10112x32xbf16, #tpu.memory_space<vmem_shared>>) offsets(%dma_start3A_34 : memref<2560xi32, #tpu.memory_space<vmem>>) semaphore(%run_scoped3A : memref<!tpu.dma_semaphore, #tpu.memory_space<semaphore_mem>>) {add = true}
        %dma_wait3A_38 = arith.constant 0 : i32
        %dma_wait3A_39 = tpu.memref_slice %arg8[%while3A_21, %dma_wait3A_38] : memref<7x2560xi32, #tpu.memory_space<vmem>> -> memref<1x2560xi32, #tpu.memory_space<vmem>>
        %dma_wait3A_40 = tpu.memref_squeeze %dma_wait3A_39 : memref<1x2560xi32, #tpu.memory_space<vmem>> -> memref<2560xi32, #tpu.memory_space<vmem>>
        %dma_wait3A_41 = arith.constant 0 : i32
        %dma_wait3A_42 = arith.constant 0 : i32
        %dma_wait3A_43 = tpu.memref_slice %arg10[%dma_wait3A_41, %dma_wait3A_42] : memref<10112x32xbf16, #tpu.memory_space<vmem_shared>> -> memref<10112x32xbf16, #tpu.memory_space<vmem_shared>>
        tpu.wait_indirect_dma semaphore(%run_scoped3A : memref<!tpu.dma_semaphore, #tpu.memory_space<semaphore_mem>>) src(%arg9 : memref<2560x32xbf16, #tpu.memory_space<vmem>>) dst(%dma_wait3A_43 : memref<10112x32xbf16, #tpu.memory_space<vmem_shared>>)
        tpu.yield
      }) : () -> ()
    }
    %while3A_19 = arith.constant 1 : i32
    scf.for %while3A_21 = %while3A_17 to %while3A_13 step %while3A_19  : i32 {
      %dma_start3A = arith.constant 0 : i32
      %dma_start3A_22 = tpu.memref_slice %arg7[%while3A_21, %dma_start3A] : memref<7x2560xi32, #tpu.memory_space<vmem>> -> memref<1x2560xi32, #tpu.memory_space<vmem>>
      %dma_start3A_23 = tpu.memref_squeeze %dma_start3A_22 : memref<1x2560xi32, #tpu.memory_space<vmem>> -> memref<2560xi32, #tpu.memory_space<vmem>>
      %dma_start3A_24 = arith.constant 0 : i32
      %dma_start3A_25 = arith.constant 0 : i32
      %dma_start3A_26 = tpu.memref_slice %arg2[%dma_start3A_24, %dma_start3A_25] : memref<10000x32xbf16, #tpu.memory_space<hbm>> -> memref<10000x32xbf16, #tpu.memory_space<hbm>>
      tpu.enqueue_indirect_dma source(%dma_start3A_26 : memref<10000x32xbf16, #tpu.memory_space<hbm>>) target(%arg9 : memref<2560x32xbf16, #tpu.memory_space<vmem>>) offsets(%dma_start3A_23 : memref<2560xi32, #tpu.memory_space<vmem>>) semaphore(%arg11 : memref<!tpu.dma_semaphore, #tpu.memory_space<semaphore_mem>>)
      %dma_wait3A = arith.constant 0 : i32
      %dma_wait3A_27 = tpu.memref_slice %arg7[%while3A_21, %dma_wait3A] : memref<7x2560xi32, #tpu.memory_space<vmem>> -> memref<1x2560xi32, #tpu.memory_space<vmem>>
      %dma_wait3A_28 = tpu.memref_squeeze %dma_wait3A_27 : memref<1x2560xi32, #tpu.memory_space<vmem>> -> memref<2560xi32, #tpu.memory_space<vmem>>
      %dma_wait3A_29 = arith.constant 0 : i32
      %dma_wait3A_30 = arith.constant 0 : i32
      %dma_wait3A_31 = tpu.memref_slice %arg2[%dma_wait3A_29, %dma_wait3A_30] : memref<10000x32xbf16, #tpu.memory_space<hbm>> -> memref<10000x32xbf16, #tpu.memory_space<hbm>>
      tpu.wait_indirect_dma semaphore(%arg11 : memref<!tpu.dma_semaphore, #tpu.memory_space<semaphore_mem>>) src(%dma_wait3A_31 : memref<10000x32xbf16, #tpu.memory_space<hbm>>) dst(%arg9 : memref<2560x32xbf16, #tpu.memory_space<vmem>>)
      "tpu.region"() ({
        %run_scoped3A = tpu.sem_alloc : memref<!tpu.dma_semaphore, #tpu.memory_space<semaphore_mem>>
        %dma_start3A_32 = arith.constant 0 : i32
        %dma_start3A_33 = tpu.memref_slice %arg8[%while3A_21, %dma_start3A_32] : memref<7x2560xi32, #tpu.memory_space<vmem>> -> memref<1x2560xi32, #tpu.memory_space<vmem>>
        %dma_start3A_34 = tpu.memref_squeeze %dma_start3A_33 : memref<1x2560xi32, #tpu.memory_space<vmem>> -> memref<2560xi32, #tpu.memory_space<vmem>>
        %dma_start3A_35 = arith.constant 0 : i32
        %dma_start3A_36 = arith.constant 0 : i32
        %dma_start3A_37 = tpu.memref_slice %arg10[%dma_start3A_35, %dma_start3A_36] : memref<10112x32xbf16, #tpu.memory_space<vmem_shared>> -> memref<10112x32xbf16, #tpu.memory_space<vmem_shared>>
        tpu.enqueue_indirect_dma source(%arg9 : memref<2560x32xbf16, #tpu.memory_space<vmem>>) target(%dma_start3A_37 : memref<10112x32xbf16, #tpu.memory_space<vmem_shared>>) offsets(%dma_start3A_34 : memref<2560xi32, #tpu.memory_space<vmem>>) semaphore(%run_scoped3A : memref<!tpu.dma_semaphore, #tpu.memory_space<semaphore_mem>>) {add = true}
        %dma_wait3A_38 = arith.constant 0 : i32
        %dma_wait3A_39 = tpu.memref_slice %arg8[%while3A_21, %dma_wait3A_38] : memref<7x2560xi32, #tpu.memory_space<vmem>> -> memref<1x2560xi32, #tpu.memory_space<vmem>>
        %dma_wait3A_40 = tpu.memref_squeeze %dma_wait3A_39 : memref<1x2560xi32, #tpu.memory_space<vmem>> -> memref<2560xi32, #tpu.memory_space<vmem>>
        %dma_wait3A_41 = arith.constant 0 : i32
        %dma_wait3A_42 = arith.constant 0 : i32
        %dma_wait3A_43 = tpu.memref_slice %arg10[%dma_wait3A_41, %dma_wait3A_42] : memref<10112x32xbf16, #tpu.memory_space<vmem_shared>> -> memref<10112x32xbf16, #tpu.memory_space<vmem_shared>>
        tpu.wait_indirect_dma semaphore(%run_scoped3A : memref<!tpu.dma_semaphore, #tpu.memory_space<semaphore_mem>>) src(%arg9 : memref<2560x32xbf16, #tpu.memory_space<vmem>>) dst(%dma_wait3A_43 : memref<10112x32xbf16, #tpu.memory_space<vmem_shared>>)
        tpu.yield
      }) : () -> ()
    }
    %barrier3A_20 = arith.constant 0 : index
    tpu.barrier barrier_id(%barrier3A_20)
    "tpu.region"() ({
      %run_scoped3A = tpu.sem_alloc : memref<!tpu.dma_semaphore, #tpu.memory_space<semaphore_mem>>
      %dma_start3A = arith.constant 0 : i32
      %dma_start3A_21 = tpu.memref_slice %arg6[%arg0, %mul3A_0, %dma_start3A] : memref<2x10112x32xbf16, #tpu.memory_space<hbm>> -> memref<1x632x32xbf16, #tpu.memory_space<hbm>>
      %dma_start3A_22 = tpu.memref_squeeze %dma_start3A_21 : memref<1x632x32xbf16, #tpu.memory_space<hbm>> -> memref<632x32xbf16, #tpu.memory_space<hbm>>
      %dma_start3A_23 = arith.constant 0 : i32
      %dma_start3A_24 = tpu.memref_slice %arg10[%mul3A_0, %dma_start3A_23] : memref<10112x32xbf16, #tpu.memory_space<vmem_shared>> -> memref<632x32xbf16, #tpu.memory_space<vmem_shared>>
      tpu.enqueue_dma source(%dma_start3A_24 : memref<632x32xbf16, #tpu.memory_space<vmem_shared>>) target(%dma_start3A_22 : memref<632x32xbf16, #tpu.memory_space<hbm>>) target_semaphore(%run_scoped3A : memref<!tpu.dma_semaphore, #tpu.memory_space<semaphore_mem>>)
      %dma_wait3A = arith.constant 0 : i32
      %dma_wait3A_25 = tpu.memref_slice %arg6[%arg0, %mul3A_0, %dma_wait3A] : memref<2x10112x32xbf16, #tpu.memory_space<hbm>> -> memref<1x632x32xbf16, #tpu.memory_space<hbm>>
      %dma_wait3A_26 = tpu.memref_squeeze %dma_wait3A_25 : memref<1x632x32xbf16, #tpu.memory_space<hbm>> -> memref<632x32xbf16, #tpu.memory_space<hbm>>
      %dma_wait3A_27 = arith.constant 0 : i32
      %dma_wait3A_28 = tpu.memref_slice %arg10[%mul3A_0, %dma_wait3A_27] : memref<10112x32xbf16, #tpu.memory_space<vmem_shared>> -> memref<632x32xbf16, #tpu.memory_space<vmem_shared>>
      tpu.wait_dma2 semaphore(%run_scoped3A : memref<!tpu.dma_semaphore, #tpu.memory_space<semaphore_mem>>) src(%dma_wait3A_28 : memref<632x32xbf16, #tpu.memory_space<vmem_shared>>) dst(%dma_wait3A_26 : memref<632x32xbf16, #tpu.memory_space<hbm>>)
      tpu.yield
    }) : () -> ()
    return
  }
}

#map = affine_map<(d0, d1) -> (0, 0)>
#map1 = affine_map<(d0, d1) -> (0, 0, 0)>
module attributes {stable_mosaic.version = 14 : i64} {
  func.func @_agg_body(%arg0: i32, %arg1: i32, %arg2: memref<10000x32xbf16, #tpu.memory_space<hbm>>, %arg3: memref<128x2560xi32, #tpu.memory_space<hbm>>, %arg4: memref<128x2560xi32, #tpu.memory_space<hbm>>, %arg5: memref<10112x32xbf16, #tpu.memory_space<hbm>>, %arg6: memref<2x10112x32xbf16, #tpu.memory_space<hbm>>, %arg7: memref<7x2560xi32, #tpu.memory_space<vmem>>, %arg8: memref<7x2560xi32, #tpu.memory_space<vmem>>, %arg9: memref<2560x32xbf16, #tpu.memory_space<vmem>>, %arg10: memref<10112x32xbf16, #tpu.memory_space<vmem_shared>>, %arg11: memref<!tpu.dma_semaphore, #tpu.memory_space<semaphore_mem>>) attributes {dimension_semantics = [#tpu.dimension_semantics<core_parallel>, #tpu.dimension_semantics<subcore_parallel>], iteration_bounds = array<i64: 2, 16>, scalar_prefetch = 0 : i64, scratch_operands = 5 : i64, tpu.core_type = #tpu.core_type<sc_vector_subcore>, window_params = [{transform_indices = #map}, {transform_indices = #map}, {transform_indices = #map}, {transform_indices = #map}, {transform_indices = #map1}]} {
    %mul3A = arith.constant 632 : i32
    %mul3A_0 = arith.muli %arg1, %mul3A : i32
    %eq3A = arith.constant 0 : i32
    %eq3A_1 = arith.cmpi eq, %arg0, %eq3A : i32
    %mul3A_2 = arith.constant 7 : i32
    %mul3A_3 = arith.muli %arg1, %mul3A_2 : i32
    %mul3A_4 = arith.constant 1 : i32
    %mul3A_5 = arith.muli %arg1, %mul3A_4 : i32
    %add3A = arith.constant 112 : i32
    %add3A_6 = arith.addi %add3A, %mul3A_5 : i32
    %select_n3A = arith.select %eq3A_1, %mul3A_3, %add3A_6 : i32
    %eq3A_7 = arith.constant 0 : i32
    %eq3A_8 = arith.cmpi eq, %arg0, %eq3A_7 : i32
    %jit3A = arith.constant 7 : i32
    %jit3A_9 = arith.constant 1 : i32
    %select_n3A_10 = arith.select %eq3A_8, %jit3A, %jit3A_9 : i32
    "tpu.region"() ({
      %run_scoped3A = tpu.sem_alloc : memref<!tpu.dma_semaphore, #tpu.memory_space<semaphore_mem>>
      %dma_start3A = arith.constant 0 : i32
      %dma_start3A_21 = tpu.memref_slice %arg10[%mul3A_0, %dma_start3A] : memref<10112x32xbf16, #tpu.memory_space<vmem_shared>> -> memref<632x32xbf16, #tpu.memory_space<vmem_shared>>
      %dma_start3A_22 = arith.constant 0 : i32
      %dma_start3A_23 = tpu.memref_slice %arg5[%mul3A_0, %dma_start3A_22] : memref<10112x32xbf16, #tpu.memory_space<hbm>> -> memref<632x32xbf16, #tpu.memory_space<hbm>>
      tpu.enqueue_dma source(%dma_start3A_23 : memref<632x32xbf16, #tpu.memory_space<hbm>>) target(%dma_start3A_21 : memref<632x32xbf16, #tpu.memory_space<vmem_shared>>) target_semaphore(%run_scoped3A : memref<!tpu.dma_semaphore, #tpu.memory_space<semaphore_mem>>)
      %dma_wait3A = arith.constant 0 : i32
      %dma_wait3A_24 = tpu.memref_slice %arg10[%mul3A_0, %dma_wait3A] : memref<10112x32xbf16, #tpu.memory_space<vmem_shared>> -> memref<632x32xbf16, #tpu.memory_space<vmem_shared>>
      %dma_wait3A_25 = arith.constant 0 : i32
      %dma_wait3A_26 = tpu.memref_slice %arg5[%mul3A_0, %dma_wait3A_25] : memref<10112x32xbf16, #tpu.memory_space<hbm>> -> memref<632x32xbf16, #tpu.memory_space<hbm>>
      tpu.wait_dma2 semaphore(%run_scoped3A : memref<!tpu.dma_semaphore, #tpu.memory_space<semaphore_mem>>) src(%dma_wait3A_26 : memref<632x32xbf16, #tpu.memory_space<hbm>>) dst(%dma_wait3A_24 : memref<632x32xbf16, #tpu.memory_space<vmem_shared>>)
      tpu.yield
    }) : () -> ()
    "tpu.region"() ({
      %run_scoped3A = tpu.sem_alloc : memref<!tpu.dma_semaphore, #tpu.memory_space<semaphore_mem>>
      %dma_start3A = arith.constant 0 : i32
      %dma_start3A_21 = tpu.memref_slice %arg3[%select_n3A, %dma_start3A] : memref<128x2560xi32, #tpu.memory_space<hbm>> -> memref<7x2560xi32, #tpu.memory_space<hbm>>
      %dma_start3A_22 = arith.constant 0 : i32
      %dma_start3A_23 = tpu.memref_slice %arg3[%select_n3A, %dma_start3A_22] : memref<128x2560xi32, #tpu.memory_space<hbm>> -> memref<7x2560xi32, #tpu.memory_space<hbm>>
      tpu.enqueue_dma source(%dma_start3A_23 : memref<7x2560xi32, #tpu.memory_space<hbm>>) target(%arg7 : memref<7x2560xi32, #tpu.memory_space<vmem>>) target_semaphore(%run_scoped3A : memref<!tpu.dma_semaphore, #tpu.memory_space<semaphore_mem>>)
      %dma_wait3A = arith.constant 0 : i32
      %dma_wait3A_24 = tpu.memref_slice %arg3[%select_n3A, %dma_wait3A] : memref<128x2560xi32, #tpu.memory_space<hbm>> -> memref<7x2560xi32, #tpu.memory_space<hbm>>
      %dma_wait3A_25 = arith.constant 0 : i32
      %dma_wait3A_26 = tpu.memref_slice %arg3[%select_n3A, %dma_wait3A_25] : memref<128x2560xi32, #tpu.memory_space<hbm>> -> memref<7x2560xi32, #tpu.memory_space<hbm>>
      tpu.wait_dma2 semaphore(%run_scoped3A : memref<!tpu.dma_semaphore, #tpu.memory_space<semaphore_mem>>) src(%dma_wait3A_26 : memref<7x2560xi32, #tpu.memory_space<hbm>>) dst(%arg7 : memref<7x2560xi32, #tpu.memory_space<vmem>>)
      tpu.yield
    }) : () -> ()
    "tpu.region"() ({
      %run_scoped3A = tpu.sem_alloc : memref<!tpu.dma_semaphore, #tpu.memory_space<semaphore_mem>>
      %dma_start3A = arith.constant 0 : i32
      %dma_start3A_21 = tpu.memref_slice %arg4[%select_n3A, %dma_start3A] : memref<128x2560xi32, #tpu.memory_space<hbm>> -> memref<7x2560xi32, #tpu.memory_space<hbm>>
      %dma_start3A_22 = arith.constant 0 : i32
      %dma_start3A_23 = tpu.memref_slice %arg4[%select_n3A, %dma_start3A_22] : memref<128x2560xi32, #tpu.memory_space<hbm>> -> memref<7x2560xi32, #tpu.memory_space<hbm>>
      tpu.enqueue_dma source(%dma_start3A_23 : memref<7x2560xi32, #tpu.memory_space<hbm>>) target(%arg8 : memref<7x2560xi32, #tpu.memory_space<vmem>>) target_semaphore(%run_scoped3A : memref<!tpu.dma_semaphore, #tpu.memory_space<semaphore_mem>>)
      %dma_wait3A = arith.constant 0 : i32
      %dma_wait3A_24 = tpu.memref_slice %arg4[%select_n3A, %dma_wait3A] : memref<128x2560xi32, #tpu.memory_space<hbm>> -> memref<7x2560xi32, #tpu.memory_space<hbm>>
      %dma_wait3A_25 = arith.constant 0 : i32
      %dma_wait3A_26 = tpu.memref_slice %arg4[%select_n3A, %dma_wait3A_25] : memref<128x2560xi32, #tpu.memory_space<hbm>> -> memref<7x2560xi32, #tpu.memory_space<hbm>>
      tpu.wait_dma2 semaphore(%run_scoped3A : memref<!tpu.dma_semaphore, #tpu.memory_space<semaphore_mem>>) src(%dma_wait3A_26 : memref<7x2560xi32, #tpu.memory_space<hbm>>) dst(%arg8 : memref<7x2560xi32, #tpu.memory_space<vmem>>)
      tpu.yield
    }) : () -> ()
    %barrier3A = arith.constant 0 : index
    tpu.barrier barrier_id(%barrier3A)
    %while3A = arith.constant 0 : i32
    %while3A_11 = arith.constant 0 : i32
    %while3A_12 = arith.subi %select_n3A_10, %while3A_11 : i32
    %while3A_13 = arith.addi %while3A_11, %while3A_12 : i32
    %while3A_14 = arith.constant 1 : i32
    %while3A_15 = arith.divsi %while3A_12, %while3A_14 : i32
    %while3A_16 = arith.muli %while3A_15, %while3A_14 : i32
    %while3A_17 = arith.addi %while3A_11, %while3A_16 : i32
    %while3A_18 = arith.constant 1 : i32
    scf.for %while3A_21 = %while3A_11 to %while3A_17 step %while3A_18  : i32 {
      %dma_start3A = arith.constant 0 : i32
      %dma_start3A_22 = tpu.memref_slice %arg7[%while3A_21, %dma_start3A] : memref<7x2560xi32, #tpu.memory_space<vmem>> -> memref<1x2560xi32, #tpu.memory_space<vmem>>
      %dma_start3A_23 = tpu.memref_squeeze %dma_start3A_22 : memref<1x2560xi32, #tpu.memory_space<vmem>> -> memref<2560xi32, #tpu.memory_space<vmem>>
      %dma_start3A_24 = arith.constant 0 : i32
      %dma_start3A_25 = arith.constant 0 : i32
      %dma_start3A_26 = tpu.memref_slice %arg2[%dma_start3A_24, %dma_start3A_25] : memref<10000x32xbf16, #tpu.memory_space<hbm>> -> memref<10000x32xbf16, #tpu.memory_space<hbm>>
      tpu.enqueue_indirect_dma source(%dma_start3A_26 : memref<10000x32xbf16, #tpu.memory_space<hbm>>) target(%arg9 : memref<2560x32xbf16, #tpu.memory_space<vmem>>) offsets(%dma_start3A_23 : memref<2560xi32, #tpu.memory_space<vmem>>) semaphore(%arg11 : memref<!tpu.dma_semaphore, #tpu.memory_space<semaphore_mem>>)
      %dma_wait3A = arith.constant 0 : i32
      %dma_wait3A_27 = tpu.memref_slice %arg7[%while3A_21, %dma_wait3A] : memref<7x2560xi32, #tpu.memory_space<vmem>> -> memref<1x2560xi32, #tpu.memory_space<vmem>>
      %dma_wait3A_28 = tpu.memref_squeeze %dma_wait3A_27 : memref<1x2560xi32, #tpu.memory_space<vmem>> -> memref<2560xi32, #tpu.memory_space<vmem>>
      %dma_wait3A_29 = arith.constant 0 : i32
      %dma_wait3A_30 = arith.constant 0 : i32
      %dma_wait3A_31 = tpu.memref_slice %arg2[%dma_wait3A_29, %dma_wait3A_30] : memref<10000x32xbf16, #tpu.memory_space<hbm>> -> memref<10000x32xbf16, #tpu.memory_space<hbm>>
      tpu.wait_indirect_dma semaphore(%arg11 : memref<!tpu.dma_semaphore, #tpu.memory_space<semaphore_mem>>) src(%dma_wait3A_31 : memref<10000x32xbf16, #tpu.memory_space<hbm>>) dst(%arg9 : memref<2560x32xbf16, #tpu.memory_space<vmem>>)
      "tpu.region"() ({
        %run_scoped3A = tpu.sem_alloc : memref<!tpu.dma_semaphore, #tpu.memory_space<semaphore_mem>>
        %dma_start3A_32 = arith.constant 0 : i32
        %dma_start3A_33 = tpu.memref_slice %arg8[%while3A_21, %dma_start3A_32] : memref<7x2560xi32, #tpu.memory_space<vmem>> -> memref<1x2560xi32, #tpu.memory_space<vmem>>
        %dma_start3A_34 = tpu.memref_squeeze %dma_start3A_33 : memref<1x2560xi32, #tpu.memory_space<vmem>> -> memref<2560xi32, #tpu.memory_space<vmem>>
        %dma_start3A_35 = arith.constant 0 : i32
        %dma_start3A_36 = arith.constant 0 : i32
        %dma_start3A_37 = tpu.memref_slice %arg10[%dma_start3A_35, %dma_start3A_36] : memref<10112x32xbf16, #tpu.memory_space<vmem_shared>> -> memref<10112x32xbf16, #tpu.memory_space<vmem_shared>>
        tpu.enqueue_indirect_dma source(%arg9 : memref<2560x32xbf16, #tpu.memory_space<vmem>>) target(%dma_start3A_37 : memref<10112x32xbf16, #tpu.memory_space<vmem_shared>>) offsets(%dma_start3A_34 : memref<2560xi32, #tpu.memory_space<vmem>>) semaphore(%run_scoped3A : memref<!tpu.dma_semaphore, #tpu.memory_space<semaphore_mem>>) {add = true}
        %dma_wait3A_38 = arith.constant 0 : i32
        %dma_wait3A_39 = tpu.memref_slice %arg8[%while3A_21, %dma_wait3A_38] : memref<7x2560xi32, #tpu.memory_space<vmem>> -> memref<1x2560xi32, #tpu.memory_space<vmem>>
        %dma_wait3A_40 = tpu.memref_squeeze %dma_wait3A_39 : memref<1x2560xi32, #tpu.memory_space<vmem>> -> memref<2560xi32, #tpu.memory_space<vmem>>
        %dma_wait3A_41 = arith.constant 0 : i32
        %dma_wait3A_42 = arith.constant 0 : i32
        %dma_wait3A_43 = tpu.memref_slice %arg10[%dma_wait3A_41, %dma_wait3A_42] : memref<10112x32xbf16, #tpu.memory_space<vmem_shared>> -> memref<10112x32xbf16, #tpu.memory_space<vmem_shared>>
        tpu.wait_indirect_dma semaphore(%run_scoped3A : memref<!tpu.dma_semaphore, #tpu.memory_space<semaphore_mem>>) src(%arg9 : memref<2560x32xbf16, #tpu.memory_space<vmem>>) dst(%dma_wait3A_43 : memref<10112x32xbf16, #tpu.memory_space<vmem_shared>>)
        tpu.yield
      }) : () -> ()
    }
    %while3A_19 = arith.constant 1 : i32
    scf.for %while3A_21 = %while3A_17 to %while3A_13 step %while3A_19  : i32 {
      %dma_start3A = arith.constant 0 : i32
      %dma_start3A_22 = tpu.memref_slice %arg7[%while3A_21, %dma_start3A] : memref<7x2560xi32, #tpu.memory_space<vmem>> -> memref<1x2560xi32, #tpu.memory_space<vmem>>
      %dma_start3A_23 = tpu.memref_squeeze %dma_start3A_22 : memref<1x2560xi32, #tpu.memory_space<vmem>> -> memref<2560xi32, #tpu.memory_space<vmem>>
      %dma_start3A_24 = arith.constant 0 : i32
      %dma_start3A_25 = arith.constant 0 : i32
      %dma_start3A_26 = tpu.memref_slice %arg2[%dma_start3A_24, %dma_start3A_25] : memref<10000x32xbf16, #tpu.memory_space<hbm>> -> memref<10000x32xbf16, #tpu.memory_space<hbm>>
      tpu.enqueue_indirect_dma source(%dma_start3A_26 : memref<10000x32xbf16, #tpu.memory_space<hbm>>) target(%arg9 : memref<2560x32xbf16, #tpu.memory_space<vmem>>) offsets(%dma_start3A_23 : memref<2560xi32, #tpu.memory_space<vmem>>) semaphore(%arg11 : memref<!tpu.dma_semaphore, #tpu.memory_space<semaphore_mem>>)
      %dma_wait3A = arith.constant 0 : i32
      %dma_wait3A_27 = tpu.memref_slice %arg7[%while3A_21, %dma_wait3A] : memref<7x2560xi32, #tpu.memory_space<vmem>> -> memref<1x2560xi32, #tpu.memory_space<vmem>>
      %dma_wait3A_28 = tpu.memref_squeeze %dma_wait3A_27 : memref<1x2560xi32, #tpu.memory_space<vmem>> -> memref<2560xi32, #tpu.memory_space<vmem>>
      %dma_wait3A_29 = arith.constant 0 : i32
      %dma_wait3A_30 = arith.constant 0 : i32
      %dma_wait3A_31 = tpu.memref_slice %arg2[%dma_wait3A_29, %dma_wait3A_30] : memref<10000x32xbf16, #tpu.memory_space<hbm>> -> memref<10000x32xbf16, #tpu.memory_space<hbm>>
      tpu.wait_indirect_dma semaphore(%arg11 : memref<!tpu.dma_semaphore, #tpu.memory_space<semaphore_mem>>) src(%dma_wait3A_31 : memref<10000x32xbf16, #tpu.memory_space<hbm>>) dst(%arg9 : memref<2560x32xbf16, #tpu.memory_space<vmem>>)
      "tpu.region"() ({
        %run_scoped3A = tpu.sem_alloc : memref<!tpu.dma_semaphore, #tpu.memory_space<semaphore_mem>>
        %dma_start3A_32 = arith.constant 0 : i32
        %dma_start3A_33 = tpu.memref_slice %arg8[%while3A_21, %dma_start3A_32] : memref<7x2560xi32, #tpu.memory_space<vmem>> -> memref<1x2560xi32, #tpu.memory_space<vmem>>
        %dma_start3A_34 = tpu.memref_squeeze %dma_start3A_33 : memref<1x2560xi32, #tpu.memory_space<vmem>> -> memref<2560xi32, #tpu.memory_space<vmem>>
        %dma_start3A_35 = arith.constant 0 : i32
        %dma_start3A_36 = arith.constant 0 : i32
        %dma_start3A_37 = tpu.memref_slice %arg10[%dma_start3A_35, %dma_start3A_36] : memref<10112x32xbf16, #tpu.memory_space<vmem_shared>> -> memref<10112x32xbf16, #tpu.memory_space<vmem_shared>>
        tpu.enqueue_indirect_dma source(%arg9 : memref<2560x32xbf16, #tpu.memory_space<vmem>>) target(%dma_start3A_37 : memref<10112x32xbf16, #tpu.memory_space<vmem_shared>>) offsets(%dma_start3A_34 : memref<2560xi32, #tpu.memory_space<vmem>>) semaphore(%run_scoped3A : memref<!tpu.dma_semaphore, #tpu.memory_space<semaphore_mem>>) {add = true}
        %dma_wait3A_38 = arith.constant 0 : i32
        %dma_wait3A_39 = tpu.memref_slice %arg8[%while3A_21, %dma_wait3A_38] : memref<7x2560xi32, #tpu.memory_space<vmem>> -> memref<1x2560xi32, #tpu.memory_space<vmem>>
        %dma_wait3A_40 = tpu.memref_squeeze %dma_wait3A_39 : memref<1x2560xi32, #tpu.memory_space<vmem>> -> memref<2560xi32, #tpu.memory_space<vmem>>
        %dma_wait3A_41 = arith.constant 0 : i32
        %dma_wait3A_42 = arith.constant 0 : i32
        %dma_wait3A_43 = tpu.memref_slice %arg10[%dma_wait3A_41, %dma_wait3A_42] : memref<10112x32xbf16, #tpu.memory_space<vmem_shared>> -> memref<10112x32xbf16, #tpu.memory_space<vmem_shared>>
        tpu.wait_indirect_dma semaphore(%run_scoped3A : memref<!tpu.dma_semaphore, #tpu.memory_space<semaphore_mem>>) src(%arg9 : memref<2560x32xbf16, #tpu.memory_space<vmem>>) dst(%dma_wait3A_43 : memref<10112x32xbf16, #tpu.memory_space<vmem_shared>>)
        tpu.yield
      }) : () -> ()
    }
    %barrier3A_20 = arith.constant 0 : index
    tpu.barrier barrier_id(%barrier3A_20)
    "tpu.region"() ({
      %run_scoped3A = tpu.sem_alloc : memref<!tpu.dma_semaphore, #tpu.memory_space<semaphore_mem>>
      %dma_start3A = arith.constant 0 : i32
      %dma_start3A_21 = tpu.memref_slice %arg6[%arg0, %mul3A_0, %dma_start3A] : memref<2x10112x32xbf16, #tpu.memory_space<hbm>> -> memref<1x632x32xbf16, #tpu.memory_space<hbm>>
      %dma_start3A_22 = tpu.memref_squeeze %dma_start3A_21 : memref<1x632x32xbf16, #tpu.memory_space<hbm>> -> memref<632x32xbf16, #tpu.memory_space<hbm>>
      %dma_start3A_23 = arith.constant 0 : i32
      %dma_start3A_24 = tpu.memref_slice %arg10[%mul3A_0, %dma_start3A_23] : memref<10112x32xbf16, #tpu.memory_space<vmem_shared>> -> memref<632x32xbf16, #tpu.memory_space<vmem_shared>>
      tpu.enqueue_dma source(%dma_start3A_24 : memref<632x32xbf16, #tpu.memory_space<vmem_shared>>) target(%dma_start3A_22 : memref<632x32xbf16, #tpu.memory_space<hbm>>) target_semaphore(%run_scoped3A : memref<!tpu.dma_semaphore, #tpu.memory_space<semaphore_mem>>)
      %dma_wait3A = arith.constant 0 : i32
      %dma_wait3A_25 = tpu.memref_slice %arg6[%arg0, %mul3A_0, %dma_wait3A] : memref<2x10112x32xbf16, #tpu.memory_space<hbm>> -> memref<1x632x32xbf16, #tpu.memory_space<hbm>>
      %dma_wait3A_26 = tpu.memref_squeeze %dma_wait3A_25 : memref<1x632x32xbf16, #tpu.memory_space<hbm>> -> memref<632x32xbf16, #tpu.memory_space<hbm>>
      %dma_wait3A_27 = arith.constant 0 : i32
      %dma_wait3A_28 = tpu.memref_slice %arg10[%mul3A_0, %dma_wait3A_27] : memref<10112x32xbf16, #tpu.memory_space<vmem_shared>> -> memref<632x32xbf16, #tpu.memory_space<vmem_shared>>
      tpu.wait_dma2 semaphore(%run_scoped3A : memref<!tpu.dma_semaphore, #tpu.memory_space<semaphore_mem>>) src(%dma_wait3A_28 : memref<632x32xbf16, #tpu.memory_space<vmem_shared>>) dst(%dma_wait3A_26 : memref<632x32xbf16, #tpu.memory_space<hbm>>)
      tpu.yield
    }) : () -> ()
    return
  }
}

module attributes {stable_mosaic.version = 14 : i64} {
  func.func @_g_body(%arg0: memref<10000x128xf32, #tpu.memory_space<vmem>>, %arg1: memref<128x32xf32, #tpu.memory_space<vmem>>, %arg2: memref<2x10112x16xbf16, #tpu.memory_space<vmem>>, %arg3: memref<10000x32xbf16, #tpu.memory_space<vmem>>, %arg4: memref<10000x1xf32, #tpu.memory_space<vmem>>) attributes {dimension_semantics = [], scalar_prefetch = 0 : i64, scratch_operands = 0 : i64, tpu.core_type = #tpu.core_type<tc>} {
    %get3A = arith.constant 0 : index
    %get3A_0 = arith.constant 0 : index
    %get3A_1 = arith.constant 0 : index
    %get3A_2 = vector.load %arg2[%get3A, %get3A_0, %get3A_1] : memref<2x10112x16xbf16, #tpu.memory_space<vmem>>, vector<1x10112x16xbf16>
    %get3A_3 = vector.shape_cast %get3A_2 : vector<1x10112x16xbf16> to vector<10112x16xbf16>
    %convert_element_type3A = arith.extf %get3A_3 : vector<10112x16xbf16> to vector<10112x16xf32>
    %get3A_4 = arith.constant 1 : index
    %get3A_5 = arith.constant 0 : index
    %get3A_6 = arith.constant 0 : index
    %get3A_7 = vector.load %arg2[%get3A_4, %get3A_5, %get3A_6] : memref<2x10112x16xbf16, #tpu.memory_space<vmem>>, vector<1x10112x16xbf16>
    %get3A_8 = vector.shape_cast %get3A_7 : vector<1x10112x16xbf16> to vector<10112x16xbf16>
    %convert_element_type3A_9 = arith.extf %get3A_8 : vector<10112x16xbf16> to vector<10112x16xf32>
    %add3A = arith.addf %convert_element_type3A, %convert_element_type3A_9 : vector<10112x16xf32>
    %slice3A = vector.extract_strided_slice %add3A {offsets = [0, 0], sizes = [10000, 16], strides = [1, 1]} : vector<10112x16xf32> to vector<10000x16xf32>
    %reduce_sum3A = arith.constant dense<0.000000e+00> : vector<10000xf32>
    %reduce_sum3A_10 = vector.multi_reduction <add>, %slice3A, %reduce_sum3A [1] : vector<10000x16xf32> to vector<10000xf32>
    %broadcast_in_dim3A = vector.shape_cast %reduce_sum3A_10 : vector<10000xf32> to vector<10000x1xf32>
    %mul3A = arith.constant 6.250000e-02 : f32
    %mul3A_11 = vector.broadcast %mul3A : f32 to vector<10000x1xf32>
    %mul3A_12 = arith.mulf %broadcast_in_dim3A, %mul3A_11 : vector<10000x1xf32>
    %add3A_13 = arith.constant 1.000000e+00 : f32
    %add3A_14 = vector.broadcast %add3A_13 : f32 to vector<10000x1xf32>
    %add3A_15 = arith.addf %mul3A_12, %add3A_14 : vector<10000x1xf32>
    %max3A = arith.constant 1.000000e+00 : f32
    %max3A_16 = vector.broadcast %max3A : f32 to vector<10000x1xf32>
    %max3A_17 = arith.maximumf %add3A_15, %max3A_16 : vector<10000x1xf32>
    %rsqrt3A = math.rsqrt %max3A_17 : vector<10000x1xf32>
    %swap3A = arith.constant 0 : index
    %swap3A_18 = arith.constant 0 : index
    %swap3A_19 = vector.load %arg4[%swap3A, %swap3A_18] : memref<10000x1xf32, #tpu.memory_space<vmem>>, vector<10000x1xf32>
    tpu.vector_store %arg4[%swap3A, %swap3A_18], %rsqrt3A {strides = array<i32>} : memref<10000x1xf32, #tpu.memory_space<vmem>>, vector<10000x1xf32>,
    %get3A_20 = arith.constant 0 : index
    %get3A_21 = arith.constant 0 : index
    %get3A_22 = vector.load %arg0[%get3A_20, %get3A_21] : memref<10000x128xf32, #tpu.memory_space<vmem>>, vector<10000x128xf32>
    %get3A_23 = arith.constant 0 : index
    %get3A_24 = arith.constant 0 : index
    %get3A_25 = vector.load %arg1[%get3A_23, %get3A_24] : memref<128x32xf32, #tpu.memory_space<vmem>>, vector<128x32xf32>
    %dot_general3A = arith.constant dense<0.000000e+00> : vector<10000x32xf32>
    %dot_general3A_26 = tpu.matmul %get3A_22, %get3A_25, %dot_general3A {dimension_numbers = #tpu.dot_dimension_numbers<[1], [0], [0], [1], [0, 0, 1, 1], [], []>, transpose_lhs_hint = false} : vector<10000x128xf32>, vector<128x32xf32>, vector<10000x32xf32> -> vector<10000x32xf32>
    %mul3A_27 = vector.broadcast %rsqrt3A : vector<10000x1xf32> to vector<10000x32xf32>
    %mul3A_28 = arith.mulf %dot_general3A_26, %mul3A_27 : vector<10000x32xf32>
    %convert_element_type3A_29 = arith.truncf %mul3A_28 : vector<10000x32xf32> to vector<10000x32xbf16>
    %swap3A_30 = arith.constant 0 : index
    %swap3A_31 = arith.constant 0 : index
    %swap3A_32 = vector.load %arg3[%swap3A_30, %swap3A_31] : memref<10000x32xbf16, #tpu.memory_space<vmem>>, vector<10000x32xbf16>
    tpu.vector_store %arg3[%swap3A_30, %swap3A_31], %convert_element_type3A_29 {strides = array<i32>} : memref<10000x32xbf16, #tpu.memory_space<vmem>>, vector<10000x32xbf16>,
    return
  }
}

module attributes {stable_mosaic.version = 14 : i64} {
  func.func @_mid_body(%arg0: memref<2x10112x32xbf16, #tpu.memory_space<vmem>>, %arg1: memref<10000x32xbf16, #tpu.memory_space<vmem>>, %arg2: memref<10000x1xf32, #tpu.memory_space<vmem>>, %arg3: memref<1x32xf32, #tpu.memory_space<vmem>>, %arg4: memref<32x32xf32, #tpu.memory_space<vmem>>, %arg5: memref<10000x32xbf16, #tpu.memory_space<vmem>>) attributes {dimension_semantics = [], scalar_prefetch = 0 : i64, scratch_operands = 0 : i64, tpu.core_type = #tpu.core_type<tc>} {
    %get3A = arith.constant 0 : index
    %get3A_0 = arith.constant 0 : index
    %get3A_1 = arith.constant 0 : index
    %get3A_2 = vector.load %arg0[%get3A, %get3A_0, %get3A_1] : memref<2x10112x32xbf16, #tpu.memory_space<vmem>>, vector<1x10112x32xbf16>
    %get3A_3 = vector.shape_cast %get3A_2 : vector<1x10112x32xbf16> to vector<10112x32xbf16>
    %convert_element_type3A = arith.extf %get3A_3 : vector<10112x32xbf16> to vector<10112x32xf32>
    %slice3A = vector.extract_strided_slice %convert_element_type3A {offsets = [0, 0], sizes = [10000, 32], strides = [1, 1]} : vector<10112x32xf32> to vector<10000x32xf32>
    %get3A_4 = arith.constant 1 : index
    %get3A_5 = arith.constant 0 : index
    %get3A_6 = arith.constant 0 : index
    %get3A_7 = vector.load %arg0[%get3A_4, %get3A_5, %get3A_6] : memref<2x10112x32xbf16, #tpu.memory_space<vmem>>, vector<1x10112x32xbf16>
    %get3A_8 = vector.shape_cast %get3A_7 : vector<1x10112x32xbf16> to vector<10112x32xbf16>
    %convert_element_type3A_9 = arith.extf %get3A_8 : vector<10112x32xbf16> to vector<10112x32xf32>
    %slice3A_10 = vector.extract_strided_slice %convert_element_type3A_9 {offsets = [0, 0], sizes = [10000, 32], strides = [1, 1]} : vector<10112x32xf32> to vector<10000x32xf32>
    %add3A = arith.addf %slice3A, %slice3A_10 : vector<10000x32xf32>
    %get3A_11 = arith.constant 0 : index
    %get3A_12 = arith.constant 0 : index
    %get3A_13 = vector.load %arg1[%get3A_11, %get3A_12] : memref<10000x32xbf16, #tpu.memory_space<vmem>>, vector<10000x32xbf16>
    %convert_element_type3A_14 = arith.extf %get3A_13 : vector<10000x32xbf16> to vector<10000x32xf32>
    %add3A_15 = arith.addf %add3A, %convert_element_type3A_14 : vector<10000x32xf32>
    %get3A_16 = arith.constant 0 : index
    %get3A_17 = arith.constant 0 : index
    %get3A_18 = vector.load %arg2[%get3A_16, %get3A_17] : memref<10000x1xf32, #tpu.memory_space<vmem>>, vector<10000x1xf32>
    %mul3A = vector.broadcast %get3A_18 : vector<10000x1xf32> to vector<10000x32xf32>
    %mul3A_19 = arith.mulf %add3A_15, %mul3A : vector<10000x32xf32>
    %get3A_20 = arith.constant 0 : index
    %get3A_21 = arith.constant 0 : index
    %get3A_22 = vector.load %arg3[%get3A_20, %get3A_21] : memref<1x32xf32, #tpu.memory_space<vmem>>, vector<1x32xf32>
    %add3A_23 = vector.broadcast %get3A_22 : vector<1x32xf32> to vector<10000x32xf32>
    %add3A_24 = arith.addf %mul3A_19, %add3A_23 : vector<10000x32xf32>
    %max3A = arith.constant 0.000000e+00 : f32
    %max3A_25 = vector.broadcast %max3A : f32 to vector<10000x32xf32>
    %max3A_26 = arith.maximumf %add3A_24, %max3A_25 : vector<10000x32xf32>
    %get3A_27 = arith.constant 0 : index
    %get3A_28 = arith.constant 0 : index
    %get3A_29 = vector.load %arg4[%get3A_27, %get3A_28] : memref<32x32xf32, #tpu.memory_space<vmem>>, vector<32x32xf32>
    %dot_general3A = arith.constant dense<0.000000e+00> : vector<10000x32xf32>
    %dot_general3A_30 = tpu.matmul %max3A_26, %get3A_29, %dot_general3A {dimension_numbers = #tpu.dot_dimension_numbers<[1], [0], [0], [1], [0, 0, 1, 1], [], []>, transpose_lhs_hint = false} : vector<10000x32xf32>, vector<32x32xf32>, vector<10000x32xf32> -> vector<10000x32xf32>
    %get3A_31 = arith.constant 0 : index
    %get3A_32 = arith.constant 0 : index
    %get3A_33 = vector.load %arg2[%get3A_31, %get3A_32] : memref<10000x1xf32, #tpu.memory_space<vmem>>, vector<10000x1xf32>
    %mul3A_34 = vector.broadcast %get3A_33 : vector<10000x1xf32> to vector<10000x32xf32>
    %mul3A_35 = arith.mulf %dot_general3A_30, %mul3A_34 : vector<10000x32xf32>
    %convert_element_type3A_36 = arith.truncf %mul3A_35 : vector<10000x32xf32> to vector<10000x32xbf16>
    %swap3A = arith.constant 0 : index
    %swap3A_37 = arith.constant 0 : index
    %swap3A_38 = vector.load %arg5[%swap3A, %swap3A_37] : memref<10000x32xbf16, #tpu.memory_space<vmem>>, vector<10000x32xbf16>
    tpu.vector_store %arg5[%swap3A, %swap3A_37], %convert_element_type3A_36 {strides = array<i32>} : memref<10000x32xbf16, #tpu.memory_space<vmem>>, vector<10000x32xbf16>,
    return
  }
}

module attributes {stable_mosaic.version = 14 : i64} {
  func.func @_out_body(%arg0: memref<2x10112x32xbf16, #tpu.memory_space<vmem>>, %arg1: memref<10000x32xbf16, #tpu.memory_space<vmem>>, %arg2: memref<10000x1xf32, #tpu.memory_space<vmem>>, %arg3: memref<1x32xf32, #tpu.memory_space<vmem>>, %arg4: memref<10000x32xf32, #tpu.memory_space<vmem>>) attributes {dimension_semantics = [], scalar_prefetch = 0 : i64, scratch_operands = 0 : i64, tpu.core_type = #tpu.core_type<tc>} {
    %get3A = arith.constant 0 : index
    %get3A_0 = arith.constant 0 : index
    %get3A_1 = arith.constant 0 : index
    %get3A_2 = vector.load %arg0[%get3A, %get3A_0, %get3A_1] : memref<2x10112x32xbf16, #tpu.memory_space<vmem>>, vector<1x10112x32xbf16>
    %get3A_3 = vector.shape_cast %get3A_2 : vector<1x10112x32xbf16> to vector<10112x32xbf16>
    %convert_element_type3A = arith.extf %get3A_3 : vector<10112x32xbf16> to vector<10112x32xf32>
    %slice3A = vector.extract_strided_slice %convert_element_type3A {offsets = [0, 0], sizes = [10000, 32], strides = [1, 1]} : vector<10112x32xf32> to vector<10000x32xf32>
    %get3A_4 = arith.constant 1 : index
    %get3A_5 = arith.constant 0 : index
    %get3A_6 = arith.constant 0 : index
    %get3A_7 = vector.load %arg0[%get3A_4, %get3A_5, %get3A_6] : memref<2x10112x32xbf16, #tpu.memory_space<vmem>>, vector<1x10112x32xbf16>
    %get3A_8 = vector.shape_cast %get3A_7 : vector<1x10112x32xbf16> to vector<10112x32xbf16>
    %convert_element_type3A_9 = arith.extf %get3A_8 : vector<10112x32xbf16> to vector<10112x32xf32>
    %slice3A_10 = vector.extract_strided_slice %convert_element_type3A_9 {offsets = [0, 0], sizes = [10000, 32], strides = [1, 1]} : vector<10112x32xf32> to vector<10000x32xf32>
    %add3A = arith.addf %slice3A, %slice3A_10 : vector<10000x32xf32>
    %get3A_11 = arith.constant 0 : index
    %get3A_12 = arith.constant 0 : index
    %get3A_13 = vector.load %arg1[%get3A_11, %get3A_12] : memref<10000x32xbf16, #tpu.memory_space<vmem>>, vector<10000x32xbf16>
    %convert_element_type3A_14 = arith.extf %get3A_13 : vector<10000x32xbf16> to vector<10000x32xf32>
    %add3A_15 = arith.addf %add3A, %convert_element_type3A_14 : vector<10000x32xf32>
    %get3A_16 = arith.constant 0 : index
    %get3A_17 = arith.constant 0 : index
    %get3A_18 = vector.load %arg2[%get3A_16, %get3A_17] : memref<10000x1xf32, #tpu.memory_space<vmem>>, vector<10000x1xf32>
    %mul3A = vector.broadcast %get3A_18 : vector<10000x1xf32> to vector<10000x32xf32>
    %mul3A_19 = arith.mulf %add3A_15, %mul3A : vector<10000x32xf32>
    %get3A_20 = arith.constant 0 : index
    %get3A_21 = arith.constant 0 : index
    %get3A_22 = vector.load %arg3[%get3A_20, %get3A_21] : memref<1x32xf32, #tpu.memory_space<vmem>>, vector<1x32xf32>
    %add3A_23 = vector.broadcast %get3A_22 : vector<1x32xf32> to vector<10000x32xf32>
    %add3A_24 = arith.addf %mul3A_19, %add3A_23 : vector<10000x32xf32>
    %swap3A = arith.constant 0 : index
    %swap3A_25 = arith.constant 0 : index
    %swap3A_26 = vector.load %arg4[%swap3A, %swap3A_25] : memref<10000x32xf32, #tpu.memory_space<vmem>>, vector<10000x32xf32>
    tpu.vector_store %arg4[%swap3A, %swap3A_25], %add3A_24 {strides = array<i32>} : memref<10000x32xf32, #tpu.memory_space<vmem>>, vector<10000x32xf32>,
    return
  }
}

</mosaic_0001>

<sc_bundles>
// kernel: kernel.11.cloned.1.call-start
scs
__scs_entry_jumppad:
0x0: {  	(pc) =	sbr.rel $0x88, $3  }
0x1: {  	(tag) =	ssettag $0x0;
	lr =	simm.s32 $0x1  }
0x2: {  	[smem:$0x3F9B] =	sst lr;
	_ =	strace $0xD0000000  }
0x3: {  	_ = 	snop  }
0x4: {  	_ = 	snop  }
0x5: {  	_ = 	snop  }
0x6: {  	_ = 	snop  }
0x7: {  	_ = 	snop  }
__scs_overlays_trampoline_lowered:
0x8: {  	[smem:$0x3FAA] =	sst s0  }
0x9: {  	[smem:$0x3FAB] =	sst s1  }
0xa: {  	[smem:$0x3FAC] =	sst s2  }
0xb: {  	[smem:$0x3FAD] =	sst s3  }
0xc: {  	[smem:$0x3FAE] =	sst s4  }
0xd: {  	[smem:$0x3FAF] =	sst s5  }
0xe: {  	[smem:$0x3FB0] =	sst s6  }
0xf: {  	[smem:$0x3FB1] =	sst s7  }
0x10: {  	[smem:$0x3FB2] =	sst s8  }
0x11: {  	[smem:$0x3FB3] =	sst s9;
	s0 =	simm.s32 @!p0 $0x0  }
0x12: {  	s1 =	sld [smem:$0x3F99];
	s0 =	simm.s32 @p0 $0x1  }
0x13: {  	[smem:$0x3FB4] =	sst s0;
	s0 =	simm.s32 @!p1 $0x0  }
0x14: {  	s2 =	sld [smem:$0x3F98];
	s0 =	simm.s32 @p1 $0x1  }
0x15: {  	[smem:$0x3FB5] =	sst s0;
	s0 =	simm.s32 @!p2 $0x0  }
0x16: {  	s3 =	sld [smem:$0x3FDB];
	s0 =	simm.s32 @p2 $0x1  }
0x17: {  	s4 =	simm.s32 $0x1BF5;
	[smem:$0x3FB7] =	sst s0  }
0x18: {  	s0 =	sld [smem:$0x3F9A];
	_ =	swait.ge [sflag:s4], $0x0  }
0x19: {  	s7 =	sld [smem:$0x3F9B]  }
0x1a: {  	s8 =	sadd.s32 $0xFFFFE003, lr  }
0x1b: {  	s9 =	sadd.s32 $0xFFFFFEF7, lr;
	s5 =	simm.s32 $0xFFFFFFFF;
	p2 =	slt.u32 s8, $0xFFFFF086  }
0x1c: {  	p1 =	slt.u32 s9, $0xF7A;
	s5 =	simm.s32 @!p2 $0x0  }
0x1d: {  	s5 =	simm.s32 @p1 $0x1;
	p0 =	seq.s32 s7, s2  }
0x1e: {  	s7 =	smul.u32 @!p0 $0xF7A, s2;
	p2 =	seq.s32 @!p0 s5, $0x0  }
0x1f: {  	s9 =	smul.u32 $0xF7A, s1;
	s8 =	simm.s32 @!p0 $0x1BF5;
	p2 =	por !p2, p0  }
0x20: {  	[sflag:s8] =	ssyncset.s32 @!p0 $0xFFFFF086;
	s6 =	sadd.s32 @!p0 s3, s7;
	s7 =	simm.s32 @!p0 $0x108  }
0x21: {  	s3 =	sadd.s32 s3, s9;
	s6 =	sadd.s32 @!p0 $0x88, s6;
	s7 =	simm.s32 @p2 $0x1082  }
0x22: {  	[simem:s7], [sflag:s8] =	dma.local @!p0 [hbm:s6], $0xF7A  }
0x23: {  	s9 =	sor.u32 $0xD0000000, s2;
	s6 =	simm.s32 $0x108;
	_ =	swait.ge @!p0 [sflag:s8], $0x0  }
0x24: {  	s3 =	sadd.s32 $0x88, s3;
	s6 =	simm.s32 @!p1 $0x1082;
	[sflag:s4] =	ssyncset.s32 $0xFFFFF086  }
0x25: {  	[simem:s6], [sflag:s4] =	dma.local [hbm:s3], $0xF7A  }
0x26: {  	[smem:$0x3F9B] =	sst s1;
	(tag) =	ssettag s2;
	_ =	strace s9  }
0x27: {  	s1 =	sld [smem:$0x3FAB]  }
0x28: {  	s2 =	sld [smem:$0x3FAC]  }
0x29: {  	s4 =	sld [smem:$0x3FAE]  }
0x2a: {  	p0 =	seq.s32 s5, $0x0;
	s5 =	sld [smem:$0x3FAF]  }
0x2b: {  	s6 =	sld [smem:$0x3FB0]  }
0x2c: {  	s7 =	sld [smem:$0x3FB1]  }
0x2d: {  	s3 =	simm.s32 $0x108;
	s8 =	sld [smem:$0x3FB2]  }
0x2e: {  	s3 =	simm.s32 @!p0 $0x1082;
	s9 =	sld [smem:$0x3FB3]  }
0x2f: {  	lr =	sadd.s32 s0, s3;
	s0 =	sld [smem:$0x3FAA]  }
0x30: {  	s3 =	sld [smem:$0x3FAD]  }
0x31: {  	[smem:$0x3FB6] =	sst s10  }
0x32: {  	s10 =	sld [smem:$0x3FB4];
	_ =	sdelay $0x3  }
0x33: {  	p0 =	seq.s32 s10, $0x1;
	s10 =	sld [smem:$0x3FB6];
	_ =	sdelay $0x3  }
0x34: {  	[smem:$0x3FB6] =	sst s10  }
0x35: {  	s10 =	sld [smem:$0x3FB5];
	_ =	sdelay $0x3  }
0x36: {  	p1 =	seq.s32 s10, $0x1;
	s10 =	sld [smem:$0x3FB6];
	_ =	sdelay $0x3  }
0x37: {  	[smem:$0x3FB6] =	sst s10  }
0x38: {  	s10 =	sld [smem:$0x3FB7]  }
0x39: {  	_ = 	snop;
	(pc) =	sbr.ind lr, $3  }
0x3a: {  	_ = 	snop  }
0x3b: {  	_ = 	snop  }
0x3c: {  	p2 =	seq.s32 s10, $0x1;
	s10 =	sld [smem:$0x3FB6]  }
0x3d: {  	_ =	shalt  }
0x3e: {  	_ =	shalt  }
0x3f: {  	_ =	shalt  }
0x40: {  	_ =	shalt  }
0x41: {  	_ =	shalt  }
0x42: {  	_ =	shalt  }
0x43: {  	_ =	shalt  }
0x44: {  	_ =	shalt  }
0x45: {  	_ =	shalt  }
0x46: {  	_ =	shalt  }
0x47: {  	_ =	shalt  }
0x48: {  	_ =	shalt  }
0x49: {  	_ =	shalt  }
0x4a: {  	_ =	shalt  }
0x4b: {  	_ =	shalt  }
0x4c: {  	_ =	shalt  }
0x4d: {  	_ =	shalt  }
0x4e: {  	_ =	shalt  }
0x4f: {  	_ =	shalt  }
0x50: {  	_ =	shalt  }
0x51: {  	_ =	shalt  }
0x52: {  	_ =	shalt  }
0x53: {  	_ =	shalt  }
0x54: {  	_ =	shalt  }
0x55: {  	_ =	shalt  }
0x56: {  	_ =	shalt  }
0x57: {  	_ =	shalt  }
0x58: {  	_ =	shalt  }
0x59: {  	_ =	shalt  }
0x5a: {  	_ =	shalt  }
0x5b: {  	_ =	shalt  }
0x5c: {  	_ =	shalt  }
0x5d: {  	_ =	shalt  }
0x5e: {  	_ =	shalt  }
0x5f: {  	_ =	shalt  }
0x60: {  	_ =	shalt  }
0x61: {  	_ =	shalt  }
0x62: {  	_ =	shalt  }
0x63: {  	_ =	shalt  }
0x64: {  	_ =	shalt  }
0x65: {  	_ =	shalt  }
0x66: {  	_ =	shalt  }
0x67: {  	_ =	shalt  }
0x68: {  	_ =	shalt  }
0x69: {  	_ =	shalt  }
0x6a: {  	_ =	shalt  }
0x6b: {  	_ =	shalt  }
0x6c: {  	_ =	shalt  }
0x6d: {  	_ =	shalt  }
0x6e: {  	_ =	shalt  }
0x6f: {  	_ =	shalt  }
0x70: {  	_ =	shalt  }
0x71: {  	_ =	shalt  }
0x72: {  	_ =	shalt  }
0x73: {  	_ =	shalt  }
0x74: {  	_ =	shalt  }
0x75: {  	_ =	shalt  }
0x76: {  	_ =	shalt  }
0x77: {  	_ =	shalt  }
0x78: {  	_ =	shalt  }
0x79: {  	_ =	shalt  }
0x7a: {  	_ =	shalt  }
0x7b: {  	_ =	shalt  }
0x7c: {  	_ =	shalt  }
0x7d: {  	_ =	shalt  }
0x7e: {  	_ =	shalt  }
0x7f: {  	_ =	shalt  }
0x80: {  	_ =	shalt  }
0x81: {  	_ =	shalt  }
0x82: {  	_ =	shalt  }
0x83: {  	_ =	shalt  }
0x84: {  	_ =	shalt  }
0x85: {  	_ =	shalt  }
0x86: {  	_ =	shalt  }
0x87: {  	_ =	shalt  }
.Lfunc_end0:
.L_simem_size_0:
called_computation.1_lowered:
.L_overlay_start_0:
0x88: {  	s2 =	sld [smem:$0x3FD9]  }
0x89: {  	s3 =	sld [smem:$0x3FFE];
	_ =	sdelay $0x1  }
0x8a: {  	s1 =	srdreg.scid  }
0x8b: {  	s0 =	sand.u32 $0x1, s1  }
0x8c: {  	s17 =	sshll.u32 s0, $0xA;
	s2 =	sadd.s32 s3, s2  }
0x8d: {  	s2 =	sadd.s32 s2, s17  }
0x8e: {  	[smem:$0x3FC2] =	sst s2  }
0x8f: {  	_ = 	snop  }
0x90: {  	s2 =	sld [smem:$0x3FD0];
	(tm) =	ssettm $0x1  }
0x91: {  	s18 =	sld [smem:$0x3FFB];
	_ =	sdelay $0x3  }
0x92: {  	_ =	strace s18  }
0x93: {  	s3 =	sld [smem:$0x3FFC];
	_ =	sdelay $0x3  }
0x94: {  	_ =	strace s3  }
0x95: {  	s3 =	sld [smem:$0x3FFD];
	_ =	sdelay $0x3  }
0x96: {  	_ =	strace s3  }
0x97: {  	_ =	strace $0x8FFFFFFF  }
0x98: {  	s19 =	sld [smem:$0x3FDB];
	_ =	sdelay $0x1  }
0x99: {  	s4 =	simm.s32 $_scs_section_size  }
0x9a: {  	s5 =	simm.s32 $_size__tile_overlayer_lowered;
	s6 =	simm.s32 $_tile_overlayer_lowered  }
0x9b: {  	s22 =	simm.s32 $0x1BFF;
	s21 =	sshll.u32 s6, $0x1;
	s3 =	sadd.s32 s4, s19  }
0x9c: {  	s7 =	simm.s32 $0x0;
	s20 =	sshll.u32 s5, $0x1;
	s5 =	sadd.s32 s21, s3  }
0x9d: {  	[timem:s7], [sflag:s22] =	dma.local [hbm:s5], s20  }
0x9e: {  	_ =	swait.ge [sflag:s22], s20  }
0x9f: {  	s4 =	ssub.s32 $0x0, s20;
	[sflag:s22] =	ssyncset.done $0x0  }
0xa0: {  	[sflag:s22] =	ssyncadd.s32 s4;
	_ =	sdelay $0x1  }
0xa1: {  	s23 =	simm.s32 $0x1B8B  }
0xa2: {  	_ =	swait.ge [sflag:s23], $0x1  }
0xa3: {  	[sflag:s23] =	ssyncset.done $0x0  }
0xa4: {  	s25 =	simm.s32 $0x1B8E;
	s24 =	sld [smem:$0x3FFE];
	[sflag:s23] =	ssyncadd.s32 $0xFFFFFFFF  }
0xa5: {  	s26 =	simm.s32 $execute0_lowered;
	[smem:$0x3FD2] =	sst s25  }
0xa6: {  	s5 =	sshll.u32 s26, $0x1;
	_ =	strace $0x80000049;
	[dreg:$0x1] =	wrdreg $0xFFFFFFFF  }
0xa7: {  	s28 =	simm.s32 $_size_execute0_lowered;
	s3 =	sadd.s32 s3, s5;
	[dreg:$0x0] =	wrdreg $0x0  }
0xa8: {  	s5 =	sshll.u32 s28, $0x1;
	[dreg:$0x2] =	wrdreg s3  }
0xa9: {  	[dreg:$0x3] =	wrdreg s5  }
0xaa: {  	[dreg:$0x4] =	wrdreg $0xC0  }
0xab: {  	_ =	task [dreg:s7], $0x5FFFF  }
0xac: {  	[dreg:$0x1] =	wrdreg $0xFFFFFFFF  }
0xad: {  	[dreg:$0x0] =	wrdreg $0x60  }
0xae: {  	[dreg:$0x2] =	wrdreg s24  }
0xaf: {  	[dreg:$0x3] =	wrdreg s2  }
0xb0: {  	[dreg:$0x4] =	wrdreg $0x12C000  }
0xb1: {  	[dreg:$0x5] =	wrdreg $0x9  }
0xb2: {  	_ =	task.clear_ibuf [dreg:s7], $0x6FFFF;
	_ =	strace $0x90000049  }
0xb3: {  	s29 =	simm.s32 $0x9;
	_ =	strace $0x8000004B  }
0xb4: {  	_ =	swait.ge [sflag:s29], $0x1  }
0xb5: {  	[sflag:s29] =	ssyncadd.s32 $0xFFFFFFFF  }
0xb6: {  	_ =	strace $0x9000004B  }
0xb7: {  	_ =	sfence  }
0xb8: {  	s30 =	sld [smem:$0x0];
	_ =	sdelay $0x2  }
0xb9: {  	s31 =	sshll.u32 s1, $0xD;
	s1 =	sshrl.u32 s1, $0x2  }
0xba: {  	s3 =	sand.u32 $0x4000, s31;
	s1 =	sadd.s32 s1, s30  }
0xbb: {  	s0 =	sor.u32 s3, s0;
	s1 =	sshll.u32 s1, $0x11  }
0xbc: {  	s0 =	sor.u32 s1, s0  }
0xbd: {  	s0 =	sadd.s32 $0x8F2B, s0  }
0xbe: {  	[sflag:s0] =	ssyncadd.remote.s32 $0x1  }
0xbf: {  	_ =	sfence.sel $0xFFFF  }
0xc0: {  	[dreg:$0x0] =	wrdreg $0xFFFFFFFF;
	(pc) =	sbr.abs _section_cstart, $3  }
0xc1: {  	[dreg:$0x1] =	wrdreg $0xFFFFFFFF  }
0xc2: {  	_ =	task.clear_ibuf [dreg:s7], $0x2FFFF;
	_ =	strace $0x9FFFFFFF  }
0xc3: {  	(tm) =	ssettm $0x7FFFFFFF  }
tec
execute0_lowered:
.L_overlay_start_1:
0x0: {  	(tag) =	ssettag $0x1  }
0x1: {  	s5 =	rddreg [dreg:$0x0]  }
0x2: {  	s9 =	rddreg [dreg:$0x1];
	s1 =	srdreg.scid  }
0x3: {  	s0 =	stileid.u32;
	s2 =	rddreg [dreg:$0x2];
	s3 =	simm.s32 $0x0  }
0x4: {  	s15 =	simm.s32 $0x1;
	s16 =	simm.s32 $0x0;
	s13 =	sand.u32 $0x1, s1  }
0x5: {  	s4 =	smul.u32 $0x7, s0;
	s1 =	rddreg [dreg:$0x3];
	s6 =	sor.u32 $0x70, s0  }
0x6: {  	s7 =	smul.u32 $0x4F00, s0;
	[smem:$0x7FF] =	sst s3;
	s30 =	sshll.u32 s0, $0x6  }
0x7: {  	p0 =	seq.s32 s13, $0x0;
	_ =	strace $0x8000004A;
	s28 =	ssub.s32 $0x2, s13  }
0x8: {  	s12 =	smul.u32 $0x4F000, s13;
	s6 =	smov.u32 @p0 s4;
	s4 =	sadd.s32 $0x1D800, s5  }
0x9: {  	s8 =	sshrl.u32 s7, $0x4;
	s29 =	sshrl.u32 s28, $0x1;
	s11 =	sshrl.u32 s7, $0x1  }
0xa: {  	p0 =	sne.s32 s13, $0x0;
	s13 =	simm.s32 $0xA00;
	s6 =	smul.u32 $0x140, s6  }
0xb: {  	s14 =	ssub.s32 s28, s29;
	s11 =	sadd.s32 s11, s2;
	s12 =	sadd.s32 s7, s12  }
0xc: {  	s31 =	sshrl.u32 s12, $0x4;
	s11 =	sshrl.u32 s11, $0x3;
	s12 =	simm.s32 $0x2  }
0xd: {  	s10 =	sadd.s32 s6, s5;
	s5 =	sadd.s32 s8, s5;
	s6 =	sor.u32 $0x1C02, s30  }
0xe: {  	s9 =	sadd.s32 s9, s31;
	s5 =	sadd.s32 $0xE800, s5;
	s7 =	sadd.s32 $0x13800, s10  }
0xf: {  	s8 =	sadd.s32 $0x4800, s10;
	s10 =	smax.u32 s14, $0x1;
	s14 =	simm.s32 $0x8C00  }
.LBB2_1:
0x10: {  	[spmem:s11], [sflag:s6] =	dma.local [hbm:s5], $0x4F0  }
0x11: {  	_ =	swait.ge [sflag:s12], $0x4F0  }
0x12: {  	[sflag:s12] =	ssyncset.done $0x0  }
0x13: {  	[sflag:s12] =	ssyncadd.s32 $0xFFFFFB10  }
0x14: {  	[tilespmem:s3], [sflag:$0x2] =	stream.linear.gather [hbm4b:s7+s3], $0x4600, $0x38;
	[tilespmem:$0x15380] =	vst v63  }
0x15: {  	_ =	swait.ge [sflag:s12], $0x4600  }
0x16: {  	[sflag:s12] =	ssyncset.done $0x0  }
0x17: {  	s17 =	simm.s32 $0x4600;
	[sflag:s12] =	ssyncadd.s32 $0xFFFFBA00  }
0x18: {  	[tilespmem:s17], [sflag:$0x2] =	stream.linear.gather [hbm4b:s8+s3], $0x4600, $0x38;
	[tilespmem:$0x15380] =	vst v63  }
0x19: {  	_ =	swait.ge [sflag:s12], $0x4600  }
0x1a: {  	[sflag:s12] =	ssyncset.done $0x0  }
0x1b: {  	[sflag:s12] =	ssyncadd.s32 $0xFFFFBA00  }
0x1c: {  	s18 =	simm.s32 $0x0;
	s19 =	simm.s32 $0x0;
	[bflag:$0x0] =	sbarrier.arrive $0xFFFF  }
.LBB2_2:
0x1d: {  	[tilespmem:s14], [sflag:$0x1] =	stream.indirect.gather [hbm4b:s4+s13], $0x10, s18, s13, $0xb8;
	[tilespmem:$0x15380] =	vst v63  }
0x1e: {  	p1 =	slt.u32 @!p0 s19, $0x6;
	_ =	swait.ge [sflag:s15], $0xA000  }
0x1f: {  	p1 =	por p0, !p1;
	[sflag:s15] =	ssyncset.done $0x0  }
.Ltmp0:
0x20: {  	[sflag:s15] =	ssyncadd.s32 $0xFFFF6000;
	(pc) =	sbr.rel @!p1 .LBB2_2-.Ltmp0, $4  }
0x21: {  	[spmem:s2] =	stream.indirect.scatter.add.bf16 [tilespmem:s14], [sflag:$0x2], $0x10, s17, s13, $0xb8;
	[tilespmem:$0x15380] =	vst v63  }
0x22: {  	_ =	swait.ge [sflag:s12], $0xA000  }
0x23: {  	s19 =	sadd.s32 $0x1, s19;
	[sflag:s12] =	ssyncset.done $0x0  }
0x24: {  	s18 =	sadd.s32 $0xA00, s18;
	s17 =	sadd.s32 $0xA00, s17;
	[sflag:s12] =	ssyncadd.s32 $0xFFFF6000  }
0x25: {  	s16 =	sadd.s32 $0x1, s16  }
0x26: {  	p1 =	sne.s32 s16, s10  }
.Ltmp1:
0x27: {  	[bflag:$0x0] =	sbarrier.arrive $0xFFFF;
	(pc) =	sbr.rel @p1 .LBB2_1-.Ltmp1, $4  }
0x28: {  	[hbm:s9], [sflag:s6] =	dma.local [spmem:s11], $0x4F0  }
0x29: {  	_ =	swait.ge [sflag:s12], $0x4F0  }
0x2a: {  	[sflag:s12] =	ssyncset.done $0x0  }
0x2b: {  	[sflag:s12] =	ssyncadd.s32 $0xFFFFFB10  }
0x2c: {  	_ =	sfence.sel $0x180000  }
0x2d: {  	[bflag:$0x0] =	sbarrier.arrive $0xFFFF  }
0x2e: {  	p0 =	sne.s32 s0, $0x0;
	_ =	strace $0x9000004A  }
0x2f: {  	s0 =	sadd.s32 @!p0 $0x100000, s1;
	[bflag:$0x2] =	sbarrier.arrive $0xFFFF  }
0x30: {  	[sflag:s0] =	ssyncadd.tile.s32 @!p0 $0x1;
	_ =	shalt  }
.Lfunc_end2:
_tile_overlayer_lowered:
.L_overlay_start_2:
0x31: {  	(tag) =	ssettag $0x2  }
0x32: {  	s0 =	rddreg [dreg:$0x0];
	s2 =	stileid.u32  }
0x33: {  	s1 =	rddreg [dreg:$0x1];
	p0 =	sne.s32 s2, $0x0  }
0x34: {  	s3 =	rddreg [dreg:$0x2];
	[bflag:$0x3] =	sbarrier.arrive $0xFFFF;
	s2 =	simm.s32 @!p0 $0x1C02  }
0x35: {  	[timem:s3], [sflag:s2] =	dma.local @!p0 [hbm:s0], s1  }
0x36: {  	s0 =	simm.s32 @!p0 $0x2  }
0x37: {  	_ =	swait.ge @!p0 [sflag:s0], s1  }
0x38: {  	s1 =	ssub.s32 @!p0 $0x0, s1;
	[sflag:s0] =	ssyncset.done @!p0 $0x0  }
0x39: {  	[sflag:s0] =	ssyncadd.s32 @!p0 s1  }
0x3a: {  	[bflag:$0x3] =	sbarrier.arrive $0xFFFF  }
0x3b: {  	_ =	shalt  }

// kernel: kernel.14.cloned.1.call-start
scs
__scs_entry_jumppad:
0x0: {  	(pc) =	sbr.rel $0x88, $3  }
0x1: {  	(tag) =	ssettag $0x0;
	lr =	simm.s32 $0x1  }
0x2: {  	[smem:$0x3F9B] =	sst lr;
	_ =	strace $0xD0000000  }
0x3: {  	_ = 	snop  }
0x4: {  	_ = 	snop  }
0x5: {  	_ = 	snop  }
0x6: {  	_ = 	snop  }
0x7: {  	_ = 	snop  }
__scs_overlays_trampoline_lowered:
0x8: {  	[smem:$0x3FAA] =	sst s0  }
0x9: {  	[smem:$0x3FAB] =	sst s1  }
0xa: {  	[smem:$0x3FAC] =	sst s2  }
0xb: {  	[smem:$0x3FAD] =	sst s3  }
0xc: {  	[smem:$0x3FAE] =	sst s4  }
0xd: {  	[smem:$0x3FAF] =	sst s5  }
0xe: {  	[smem:$0x3FB0] =	sst s6  }
0xf: {  	[smem:$0x3FB1] =	sst s7  }
0x10: {  	[smem:$0x3FB2] =	sst s8  }
0x11: {  	[smem:$0x3FB3] =	sst s9;
	s0 =	simm.s32 @!p0 $0x0  }
0x12: {  	s1 =	sld [smem:$0x3F99];
	s0 =	simm.s32 @p0 $0x1  }
0x13: {  	[smem:$0x3FB4] =	sst s0;
	s0 =	simm.s32 @!p1 $0x0  }
0x14: {  	s2 =	sld [smem:$0x3F98];
	s0 =	simm.s32 @p1 $0x1  }
0x15: {  	[smem:$0x3FB5] =	sst s0;
	s0 =	simm.s32 @!p2 $0x0  }
0x16: {  	s3 =	sld [smem:$0x3FDB];
	s0 =	simm.s32 @p2 $0x1  }
0x17: {  	s4 =	simm.s32 $0x1BF5;
	[smem:$0x3FB7] =	sst s0  }
0x18: {  	s0 =	sld [smem:$0x3F9A];
	_ =	swait.ge [sflag:s4], $0x0  }
0x19: {  	s7 =	sld [smem:$0x3F9B]  }
0x1a: {  	s8 =	sadd.s32 $0xFFFFE003, lr  }
0x1b: {  	s9 =	sadd.s32 $0xFFFFFEF7, lr;
	s5 =	simm.s32 $0xFFFFFFFF;
	p2 =	slt.u32 s8, $0xFFFFF086  }
0x1c: {  	p1 =	slt.u32 s9, $0xF7A;
	s5 =	simm.s32 @!p2 $0x0  }
0x1d: {  	s5 =	simm.s32 @p1 $0x1;
	p0 =	seq.s32 s7, s2  }
0x1e: {  	s7 =	smul.u32 @!p0 $0xF7A, s2;
	p2 =	seq.s32 @!p0 s5, $0x0  }
0x1f: {  	s9 =	smul.u32 $0xF7A, s1;
	s8 =	simm.s32 @!p0 $0x1BF5;
	p2 =	por !p2, p0  }
0x20: {  	[sflag:s8] =	ssyncset.s32 @!p0 $0xFFFFF086;
	s6 =	sadd.s32 @!p0 s3, s7;
	s7 =	simm.s32 @!p0 $0x108  }
0x21: {  	s3 =	sadd.s32 s3, s9;
	s6 =	sadd.s32 @!p0 $0x88, s6;
	s7 =	simm.s32 @p2 $0x1082  }
0x22: {  	[simem:s7], [sflag:s8] =	dma.local @!p0 [hbm:s6], $0xF7A  }
0x23: {  	s9 =	sor.u32 $0xD0000000, s2;
	s6 =	simm.s32 $0x108;
	_ =	swait.ge @!p0 [sflag:s8], $0x0  }
0x24: {  	s3 =	sadd.s32 $0x88, s3;
	s6 =	simm.s32 @!p1 $0x1082;
	[sflag:s4] =	ssyncset.s32 $0xFFFFF086  }
0x25: {  	[simem:s6], [sflag:s4] =	dma.local [hbm:s3], $0xF7A  }
0x26: {  	[smem:$0x3F9B] =	sst s1;
	(tag) =	ssettag s2;
	_ =	strace s9  }
0x27: {  	s1 =	sld [smem:$0x3FAB]  }
0x28: {  	s2 =	sld [smem:$0x3FAC]  }
0x29: {  	s4 =	sld [smem:$0x3FAE]  }
0x2a: {  	p0 =	seq.s32 s5, $0x0;
	s5 =	sld [smem:$0x3FAF]  }
0x2b: {  	s6 =	sld [smem:$0x3FB0]  }
0x2c: {  	s7 =	sld [smem:$0x3FB1]  }
0x2d: {  	s3 =	simm.s32 $0x108;
	s8 =	sld [smem:$0x3FB2]  }
0x2e: {  	s3 =	simm.s32 @!p0 $0x1082;
	s9 =	sld [smem:$0x3FB3]  }
0x2f: {  	lr =	sadd.s32 s0, s3;
	s0 =	sld [smem:$0x3FAA]  }
0x30: {  	s3 =	sld [smem:$0x3FAD]  }
0x31: {  	[smem:$0x3FB6] =	sst s10  }
0x32: {  	s10 =	sld [smem:$0x3FB4];
	_ =	sdelay $0x3  }
0x33: {  	p0 =	seq.s32 s10, $0x1;
	s10 =	sld [smem:$0x3FB6];
	_ =	sdelay $0x3  }
0x34: {  	[smem:$0x3FB6] =	sst s10  }
0x35: {  	s10 =	sld [smem:$0x3FB5];
	_ =	sdelay $0x3  }
0x36: {  	p1 =	seq.s32 s10, $0x1;
	s10 =	sld [smem:$0x3FB6];
	_ =	sdelay $0x3  }
0x37: {  	[smem:$0x3FB6] =	sst s10  }
0x38: {  	s10 =	sld [smem:$0x3FB7]  }
0x39: {  	_ = 	snop;
	(pc) =	sbr.ind lr, $3  }
0x3a: {  	_ = 	snop  }
0x3b: {  	_ = 	snop  }
0x3c: {  	p2 =	seq.s32 s10, $0x1;
	s10 =	sld [smem:$0x3FB6]  }
0x3d: {  	_ =	shalt  }
0x3e: {  	_ =	shalt  }
0x3f: {  	_ =	shalt  }
0x40: {  	_ =	shalt  }
0x41: {  	_ =	shalt  }
0x42: {  	_ =	shalt  }
0x43: {  	_ =	shalt  }
0x44: {  	_ =	shalt  }
0x45: {  	_ =	shalt  }
0x46: {  	_ =	shalt  }
0x47: {  	_ =	shalt  }
0x48: {  	_ =	shalt  }
0x49: {  	_ =	shalt  }
0x4a: {  	_ =	shalt  }
0x4b: {  	_ =	shalt  }
0x4c: {  	_ =	shalt  }
0x4d: {  	_ =	shalt  }
0x4e: {  	_ =	shalt  }
0x4f: {  	_ =	shalt  }
0x50: {  	_ =	shalt  }
0x51: {  	_ =	shalt  }
0x52: {  	_ =	shalt  }
0x53: {  	_ =	shalt  }
0x54: {  	_ =	shalt  }
0x55: {  	_ =	shalt  }
0x56: {  	_ =	shalt  }
0x57: {  	_ =	shalt  }
0x58: {  	_ =	shalt  }
0x59: {  	_ =	shalt  }
0x5a: {  	_ =	shalt  }
0x5b: {  	_ =	shalt  }
0x5c: {  	_ =	shalt  }
0x5d: {  	_ =	shalt  }
0x5e: {  	_ =	shalt  }
0x5f: {  	_ =	shalt  }
0x60: {  	_ =	shalt  }
0x61: {  	_ =	shalt  }
0x62: {  	_ =	shalt  }
0x63: {  	_ =	shalt  }
0x64: {  	_ =	shalt  }
0x65: {  	_ =	shalt  }
0x66: {  	_ =	shalt  }
0x67: {  	_ =	shalt  }
0x68: {  	_ =	shalt  }
0x69: {  	_ =	shalt  }
0x6a: {  	_ =	shalt  }
0x6b: {  	_ =	shalt  }
0x6c: {  	_ =	shalt  }
0x6d: {  	_ =	shalt  }
0x6e: {  	_ =	shalt  }
0x6f: {  	_ =	shalt  }
0x70: {  	_ =	shalt  }
0x71: {  	_ =	shalt  }
0x72: {  	_ =	shalt  }
0x73: {  	_ =	shalt  }
0x74: {  	_ =	shalt  }
0x75: {  	_ =	shalt  }
0x76: {  	_ =	shalt  }
0x77: {  	_ =	shalt  }
0x78: {  	_ =	shalt  }
0x79: {  	_ =	shalt  }
0x7a: {  	_ =	shalt  }
0x7b: {  	_ =	shalt  }
0x7c: {  	_ =	shalt  }
0x7d: {  	_ =	shalt  }
0x7e: {  	_ =	shalt  }
0x7f: {  	_ =	shalt  }
0x80: {  	_ =	shalt  }
0x81: {  	_ =	shalt  }
0x82: {  	_ =	shalt  }
0x83: {  	_ =	shalt  }
0x84: {  	_ =	shalt  }
0x85: {  	_ =	shalt  }
0x86: {  	_ =	shalt  }
0x87: {  	_ =	shalt  }
.Lfunc_end0:
.L_simem_size_0:
called_computation.2_lowered:
.L_overlay_start_0:
0x88: {  	s2 =	sld [smem:$0x3FD9]  }
0x89: {  	s3 =	sld [smem:$0x3FFE];
	_ =	sdelay $0x1  }
0x8a: {  	s1 =	srdreg.scid  }
0x8b: {  	s0 =	sand.u32 $0x1, s1  }
0x8c: {  	s17 =	sshll.u32 s0, $0xA;
	s2 =	sadd.s32 s3, s2  }
0x8d: {  	s2 =	sadd.s32 s2, s17  }
0x8e: {  	[smem:$0x3FC2] =	sst s2  }
0x8f: {  	_ = 	snop  }
0x90: {  	s2 =	sld [smem:$0x3FD0];
	(tm) =	ssettm $0x1  }
0x91: {  	s18 =	sld [smem:$0x3FFB];
	_ =	sdelay $0x3  }
0x92: {  	_ =	strace s18  }
0x93: {  	s3 =	sld [smem:$0x3FFC];
	_ =	sdelay $0x3  }
0x94: {  	_ =	strace s3  }
0x95: {  	s3 =	sld [smem:$0x3FFD];
	_ =	sdelay $0x3  }
0x96: {  	_ =	strace s3  }
0x97: {  	_ =	strace $0x8FFFFFFF  }
0x98: {  	s19 =	sld [smem:$0x3FDB];
	_ =	sdelay $0x1  }
0x99: {  	s4 =	simm.s32 $_scs_section_size  }
0x9a: {  	s5 =	simm.s32 $_size__tile_overlayer_lowered;
	s6 =	simm.s32 $_tile_overlayer_lowered  }
0x9b: {  	s22 =	simm.s32 $0x1BFF;
	s21 =	sshll.u32 s6, $0x1;
	s3 =	sadd.s32 s4, s19  }
0x9c: {  	s7 =	simm.s32 $0x0;
	s20 =	sshll.u32 s5, $0x1;
	s5 =	sadd.s32 s21, s3  }
0x9d: {  	[timem:s7], [sflag:s22] =	dma.local [hbm:s5], s20  }
0x9e: {  	_ =	swait.ge [sflag:s22], s20  }
0x9f: {  	s4 =	ssub.s32 $0x0, s20;
	[sflag:s22] =	ssyncset.done $0x0  }
0xa0: {  	[sflag:s22] =	ssyncadd.s32 s4;
	_ =	sdelay $0x1  }
0xa1: {  	s23 =	simm.s32 $0x1B8B  }
0xa2: {  	_ =	swait.ge [sflag:s23], $0x1  }
0xa3: {  	[sflag:s23] =	ssyncset.done $0x0  }
0xa4: {  	s25 =	simm.s32 $0x1B8E;
	s24 =	sld [smem:$0x3FFE];
	[sflag:s23] =	ssyncadd.s32 $0xFFFFFFFF  }
0xa5: {  	s26 =	simm.s32 $execute0_lowered;
	[smem:$0x3FD2] =	sst s25  }
0xa6: {  	s5 =	sshll.u32 s26, $0x1;
	_ =	strace $0x8000004C;
	[dreg:$0x1] =	wrdreg $0xFFFFFFFF  }
0xa7: {  	s28 =	simm.s32 $_size_execute0_lowered;
	s3 =	sadd.s32 s3, s5;
	[dreg:$0x0] =	wrdreg $0x0  }
0xa8: {  	s5 =	sshll.u32 s28, $0x1;
	[dreg:$0x2] =	wrdreg s3  }
0xa9: {  	[dreg:$0x3] =	wrdreg s5  }
0xaa: {  	[dreg:$0x4] =	wrdreg $0xC0  }
0xab: {  	_ =	task [dreg:s7], $0x5FFFF  }
0xac: {  	[dreg:$0x1] =	wrdreg $0xFFFFFFFF  }
0xad: {  	[dreg:$0x0] =	wrdreg $0x60  }
0xae: {  	[dreg:$0x2] =	wrdreg s24  }
0xaf: {  	[dreg:$0x3] =	wrdreg s2  }
0xb0: {  	[dreg:$0x4] =	wrdreg $0x12C000  }
0xb1: {  	[dreg:$0x5] =	wrdreg $0x9  }
0xb2: {  	_ =	task.clear_ibuf [dreg:s7], $0x6FFFF;
	_ =	strace $0x9000004C  }
0xb3: {  	s29 =	simm.s32 $0x9;
	_ =	strace $0x8000004E  }
0xb4: {  	_ =	swait.ge [sflag:s29], $0x1  }
0xb5: {  	[sflag:s29] =	ssyncadd.s32 $0xFFFFFFFF  }
0xb6: {  	_ =	strace $0x9000004E  }
0xb7: {  	_ =	sfence  }
0xb8: {  	s30 =	sld [smem:$0x0];
	_ =	sdelay $0x2  }
0xb9: {  	s31 =	sshll.u32 s1, $0xD;
	s1 =	sshrl.u32 s1, $0x2  }
0xba: {  	s3 =	sand.u32 $0x4000, s31;
	s1 =	sadd.s32 s1, s30  }
0xbb: {  	s0 =	sor.u32 s3, s0;
	s1 =	sshll.u32 s1, $0x11  }
0xbc: {  	s0 =	sor.u32 s1, s0  }
0xbd: {  	s0 =	sadd.s32 $0x8F2B, s0  }
0xbe: {  	[sflag:s0] =	ssyncadd.remote.s32 $0x1  }
0xbf: {  	_ =	sfence.sel $0xFFFF  }
0xc0: {  	[dreg:$0x0] =	wrdreg $0xFFFFFFFF;
	(pc) =	sbr.abs _section_cstart, $3  }
0xc1: {  	[dreg:$0x1] =	wrdreg $0xFFFFFFFF  }
0xc2: {  	_ =	task.clear_ibuf [dreg:s7], $0x2FFFF;
	_ =	strace $0x9FFFFFFF  }
0xc3: {  	(tm) =	ssettm $0x7FFFFFFF  }
tec
execute0_lowered:
.L_overlay_start_1:
0x0: {  	(tag) =	ssettag $0x1  }
0x1: {  	s5 =	rddreg [dreg:$0x0]  }
0x2: {  	s9 =	rddreg [dreg:$0x1];
	s1 =	srdreg.scid  }
0x3: {  	s0 =	stileid.u32;
	s2 =	rddreg [dreg:$0x2];
	s3 =	simm.s32 $0x0  }
0x4: {  	s15 =	simm.s32 $0x1;
	s16 =	simm.s32 $0x0;
	s13 =	sand.u32 $0x1, s1  }
0x5: {  	s4 =	smul.u32 $0x7, s0;
	s1 =	rddreg [dreg:$0x3];
	s6 =	sor.u32 $0x70, s0  }
0x6: {  	s7 =	smul.u32 $0x4F00, s0;
	[smem:$0x7FF] =	sst s3;
	s30 =	sshll.u32 s0, $0x6  }
0x7: {  	p0 =	seq.s32 s13, $0x0;
	_ =	strace $0x8000004D;
	s28 =	ssub.s32 $0x2, s13  }
0x8: {  	s12 =	smul.u32 $0x4F000, s13;
	s6 =	smov.u32 @p0 s4;
	s4 =	sadd.s32 $0x1D800, s5  }
0x9: {  	s8 =	sshrl.u32 s7, $0x4;
	s29 =	sshrl.u32 s28, $0x1;
	s11 =	sshrl.u32 s7, $0x1  }
0xa: {  	p0 =	sne.s32 s13, $0x0;
	s13 =	simm.s32 $0xA00;
	s6 =	smul.u32 $0x140, s6  }
0xb: {  	s14 =	ssub.s32 s28, s29;
	s11 =	sadd.s32 s11, s2;
	s12 =	sadd.s32 s7, s12  }
0xc: {  	s31 =	sshrl.u32 s12, $0x4;
	s11 =	sshrl.u32 s11, $0x3;
	s12 =	simm.s32 $0x2  }
0xd: {  	s10 =	sadd.s32 s6, s5;
	s5 =	sadd.s32 s8, s5;
	s6 =	sor.u32 $0x1C02, s30  }
0xe: {  	s9 =	sadd.s32 s9, s31;
	s5 =	sadd.s32 $0xE800, s5;
	s7 =	sadd.s32 $0x13800, s10  }
0xf: {  	s8 =	sadd.s32 $0x4800, s10;
	s10 =	smax.u32 s14, $0x1;
	s14 =	simm.s32 $0x8C00  }
.LBB2_1:
0x10: {  	[spmem:s11], [sflag:s6] =	dma.local [hbm:s5], $0x4F0  }
0x11: {  	_ =	swait.ge [sflag:s12], $0x4F0  }
0x12: {  	[sflag:s12] =	ssyncset.done $0x0  }
0x13: {  	[sflag:s12] =	ssyncadd.s32 $0xFFFFFB10  }
0x14: {  	[tilespmem:s3], [sflag:$0x2] =	stream.linear.gather [hbm4b:s7+s3], $0x4600, $0x38;
	[tilespmem:$0x15380] =	vst v63  }
0x15: {  	_ =	swait.ge [sflag:s12], $0x4600  }
0x16: {  	[sflag:s12] =	ssyncset.done $0x0  }
0x17: {  	s17 =	simm.s32 $0x4600;
	[sflag:s12] =	ssyncadd.s32 $0xFFFFBA00  }
0x18: {  	[tilespmem:s17], [sflag:$0x2] =	stream.linear.gather [hbm4b:s8+s3], $0x4600, $0x38;
	[tilespmem:$0x15380] =	vst v63  }
0x19: {  	_ =	swait.ge [sflag:s12], $0x4600  }
0x1a: {  	[sflag:s12] =	ssyncset.done $0x0  }
0x1b: {  	[sflag:s12] =	ssyncadd.s32 $0xFFFFBA00  }
0x1c: {  	s18 =	simm.s32 $0x0;
	s19 =	simm.s32 $0x0;
	[bflag:$0x0] =	sbarrier.arrive $0xFFFF  }
.LBB2_2:
0x1d: {  	[tilespmem:s14], [sflag:$0x1] =	stream.indirect.gather [hbm4b:s4+s13], $0x10, s18, s13, $0xb8;
	[tilespmem:$0x15380] =	vst v63  }
0x1e: {  	p1 =	slt.u32 @!p0 s19, $0x6;
	_ =	swait.ge [sflag:s15], $0xA000  }
0x1f: {  	p1 =	por p0, !p1;
	[sflag:s15] =	ssyncset.done $0x0  }
.Ltmp0:
0x20: {  	[sflag:s15] =	ssyncadd.s32 $0xFFFF6000;
	(pc) =	sbr.rel @!p1 .LBB2_2-.Ltmp0, $4  }
0x21: {  	[spmem:s2] =	stream.indirect.scatter.add.bf16 [tilespmem:s14], [sflag:$0x2], $0x10, s17, s13, $0xb8;
	[tilespmem:$0x15380] =	vst v63  }
0x22: {  	_ =	swait.ge [sflag:s12], $0xA000  }
0x23: {  	s19 =	sadd.s32 $0x1, s19;
	[sflag:s12] =	ssyncset.done $0x0  }
0x24: {  	s18 =	sadd.s32 $0xA00, s18;
	s17 =	sadd.s32 $0xA00, s17;
	[sflag:s12] =	ssyncadd.s32 $0xFFFF6000  }
0x25: {  	s16 =	sadd.s32 $0x1, s16  }
0x26: {  	p1 =	sne.s32 s16, s10  }
.Ltmp1:
0x27: {  	[bflag:$0x0] =	sbarrier.arrive $0xFFFF;
	(pc) =	sbr.rel @p1 .LBB2_1-.Ltmp1, $4  }
0x28: {  	[hbm:s9], [sflag:s6] =	dma.local [spmem:s11], $0x4F0  }
0x29: {  	_ =	swait.ge [sflag:s12], $0x4F0  }
0x2a: {  	[sflag:s12] =	ssyncset.done $0x0  }
0x2b: {  	[sflag:s12] =	ssyncadd.s32 $0xFFFFFB10  }
0x2c: {  	_ =	sfence.sel $0x180000  }
0x2d: {  	[bflag:$0x0] =	sbarrier.arrive $0xFFFF  }
0x2e: {  	p0 =	sne.s32 s0, $0x0;
	_ =	strace $0x9000004D  }
0x2f: {  	s0 =	sadd.s32 @!p0 $0x100000, s1;
	[bflag:$0x2] =	sbarrier.arrive $0xFFFF  }
0x30: {  	[sflag:s0] =	ssyncadd.tile.s32 @!p0 $0x1;
	_ =	shalt  }
.Lfunc_end2:
_tile_overlayer_lowered:
.L_overlay_start_2:
0x31: {  	(tag) =	ssettag $0x2  }
0x32: {  	s0 =	rddreg [dreg:$0x0];
	s2 =	stileid.u32  }
0x33: {  	s1 =	rddreg [dreg:$0x1];
	p0 =	sne.s32 s2, $0x0  }
0x34: {  	s3 =	rddreg [dreg:$0x2];
	[bflag:$0x3] =	sbarrier.arrive $0xFFFF;
	s2 =	simm.s32 @!p0 $0x1C02  }
0x35: {  	[timem:s3], [sflag:s2] =	dma.local @!p0 [hbm:s0], s1  }
0x36: {  	s0 =	simm.s32 @!p0 $0x2  }
0x37: {  	_ =	swait.ge @!p0 [sflag:s0], s1  }
0x38: {  	s1 =	ssub.s32 @!p0 $0x0, s1;
	[sflag:s0] =	ssyncset.done @!p0 $0x0  }
0x39: {  	[sflag:s0] =	ssyncadd.s32 @!p0 s1  }
0x3a: {  	[bflag:$0x3] =	sbarrier.arrive $0xFFFF  }
0x3b: {  	_ =	shalt  }

// kernel: kernel.8.cloned.1.call-start
scs
__scs_entry_jumppad:
0x0: {  	(pc) =	sbr.rel $0x88, $3  }
0x1: {  	(tag) =	ssettag $0x0;
	lr =	simm.s32 $0x1  }
0x2: {  	[smem:$0x3F9B] =	sst lr;
	_ =	strace $0xD0000000  }
0x3: {  	_ = 	snop  }
0x4: {  	_ = 	snop  }
0x5: {  	_ = 	snop  }
0x6: {  	_ = 	snop  }
0x7: {  	_ = 	snop  }
__scs_overlays_trampoline_lowered:
0x8: {  	[smem:$0x3FAA] =	sst s0  }
0x9: {  	[smem:$0x3FAB] =	sst s1  }
0xa: {  	[smem:$0x3FAC] =	sst s2  }
0xb: {  	[smem:$0x3FAD] =	sst s3  }
0xc: {  	[smem:$0x3FAE] =	sst s4  }
0xd: {  	[smem:$0x3FAF] =	sst s5  }
0xe: {  	[smem:$0x3FB0] =	sst s6  }
0xf: {  	[smem:$0x3FB1] =	sst s7  }
0x10: {  	[smem:$0x3FB2] =	sst s8  }
0x11: {  	[smem:$0x3FB3] =	sst s9;
	s0 =	simm.s32 @!p0 $0x0  }
0x12: {  	s1 =	sld [smem:$0x3F99];
	s0 =	simm.s32 @p0 $0x1  }
0x13: {  	[smem:$0x3FB4] =	sst s0;
	s0 =	simm.s32 @!p1 $0x0  }
0x14: {  	s2 =	sld [smem:$0x3F98];
	s0 =	simm.s32 @p1 $0x1  }
0x15: {  	[smem:$0x3FB5] =	sst s0;
	s0 =	simm.s32 @!p2 $0x0  }
0x16: {  	s3 =	sld [smem:$0x3FDB];
	s0 =	simm.s32 @p2 $0x1  }
0x17: {  	s4 =	simm.s32 $0x1BF5;
	[smem:$0x3FB7] =	sst s0  }
0x18: {  	s0 =	sld [smem:$0x3F9A];
	_ =	swait.ge [sflag:s4], $0x0  }
0x19: {  	s7 =	sld [smem:$0x3F9B]  }
0x1a: {  	s8 =	sadd.s32 $0xFFFFE003, lr  }
0x1b: {  	s9 =	sadd.s32 $0xFFFFFEF7, lr;
	s5 =	simm.s32 $0xFFFFFFFF;
	p2 =	slt.u32 s8, $0xFFFFF086  }
0x1c: {  	p1 =	slt.u32 s9, $0xF7A;
	s5 =	simm.s32 @!p2 $0x0  }
0x1d: {  	s5 =	simm.s32 @p1 $0x1;
	p0 =	seq.s32 s7, s2  }
0x1e: {  	s7 =	smul.u32 @!p0 $0xF7A, s2;
	p2 =	seq.s32 @!p0 s5, $0x0  }
0x1f: {  	s9 =	smul.u32 $0xF7A, s1;
	s8 =	simm.s32 @!p0 $0x1BF5;
	p2 =	por !p2, p0  }
0x20: {  	[sflag:s8] =	ssyncset.s32 @!p0 $0xFFFFF086;
	s6 =	sadd.s32 @!p0 s3, s7;
	s7 =	simm.s32 @!p0 $0x108  }
0x21: {  	s3 =	sadd.s32 s3, s9;
	s6 =	sadd.s32 @!p0 $0x88, s6;
	s7 =	simm.s32 @p2 $0x1082  }
0x22: {  	[simem:s7], [sflag:s8] =	dma.local @!p0 [hbm:s6], $0xF7A  }
0x23: {  	s9 =	sor.u32 $0xD0000000, s2;
	s6 =	simm.s32 $0x108;
	_ =	swait.ge @!p0 [sflag:s8], $0x0  }
0x24: {  	s3 =	sadd.s32 $0x88, s3;
	s6 =	simm.s32 @!p1 $0x1082;
	[sflag:s4] =	ssyncset.s32 $0xFFFFF086  }
0x25: {  	[simem:s6], [sflag:s4] =	dma.local [hbm:s3], $0xF7A  }
0x26: {  	[smem:$0x3F9B] =	sst s1;
	(tag) =	ssettag s2;
	_ =	strace s9  }
0x27: {  	s1 =	sld [smem:$0x3FAB]  }
0x28: {  	s2 =	sld [smem:$0x3FAC]  }
0x29: {  	s4 =	sld [smem:$0x3FAE]  }
0x2a: {  	p0 =	seq.s32 s5, $0x0;
	s5 =	sld [smem:$0x3FAF]  }
0x2b: {  	s6 =	sld [smem:$0x3FB0]  }
0x2c: {  	s7 =	sld [smem:$0x3FB1]  }
0x2d: {  	s3 =	simm.s32 $0x108;
	s8 =	sld [smem:$0x3FB2]  }
0x2e: {  	s3 =	simm.s32 @!p0 $0x1082;
	s9 =	sld [smem:$0x3FB3]  }
0x2f: {  	lr =	sadd.s32 s0, s3;
	s0 =	sld [smem:$0x3FAA]  }
0x30: {  	s3 =	sld [smem:$0x3FAD]  }
0x31: {  	[smem:$0x3FB6] =	sst s10  }
0x32: {  	s10 =	sld [smem:$0x3FB4];
	_ =	sdelay $0x3  }
0x33: {  	p0 =	seq.s32 s10, $0x1;
	s10 =	sld [smem:$0x3FB6];
	_ =	sdelay $0x3  }
0x34: {  	[smem:$0x3FB6] =	sst s10  }
0x35: {  	s10 =	sld [smem:$0x3FB5];
	_ =	sdelay $0x3  }
0x36: {  	p1 =	seq.s32 s10, $0x1;
	s10 =	sld [smem:$0x3FB6];
	_ =	sdelay $0x3  }
0x37: {  	[smem:$0x3FB6] =	sst s10  }
0x38: {  	s10 =	sld [smem:$0x3FB7]  }
0x39: {  	_ = 	snop;
	(pc) =	sbr.ind lr, $3  }
0x3a: {  	_ = 	snop  }
0x3b: {  	_ = 	snop  }
0x3c: {  	p2 =	seq.s32 s10, $0x1;
	s10 =	sld [smem:$0x3FB6]  }
0x3d: {  	_ =	shalt  }
0x3e: {  	_ =	shalt  }
0x3f: {  	_ =	shalt  }
0x40: {  	_ =	shalt  }
0x41: {  	_ =	shalt  }
0x42: {  	_ =	shalt  }
0x43: {  	_ =	shalt  }
0x44: {  	_ =	shalt  }
0x45: {  	_ =	shalt  }
0x46: {  	_ =	shalt  }
0x47: {  	_ =	shalt  }
0x48: {  	_ =	shalt  }
0x49: {  	_ =	shalt  }
0x4a: {  	_ =	shalt  }
0x4b: {  	_ =	shalt  }
0x4c: {  	_ =	shalt  }
0x4d: {  	_ =	shalt  }
0x4e: {  	_ =	shalt  }
0x4f: {  	_ =	shalt  }
0x50: {  	_ =	shalt  }
0x51: {  	_ =	shalt  }
0x52: {  	_ =	shalt  }
0x53: {  	_ =	shalt  }
0x54: {  	_ =	shalt  }
0x55: {  	_ =	shalt  }
0x56: {  	_ =	shalt  }
0x57: {  	_ =	shalt  }
0x58: {  	_ =	shalt  }
0x59: {  	_ =	shalt  }
0x5a: {  	_ =	shalt  }
0x5b: {  	_ =	shalt  }
0x5c: {  	_ =	shalt  }
0x5d: {  	_ =	shalt  }
0x5e: {  	_ =	shalt  }
0x5f: {  	_ =	shalt  }
0x60: {  	_ =	shalt  }
0x61: {  	_ =	shalt  }
0x62: {  	_ =	shalt  }
0x63: {  	_ =	shalt  }
0x64: {  	_ =	shalt  }
0x65: {  	_ =	shalt  }
0x66: {  	_ =	shalt  }
0x67: {  	_ =	shalt  }
0x68: {  	_ =	shalt  }
0x69: {  	_ =	shalt  }
0x6a: {  	_ =	shalt  }
0x6b: {  	_ =	shalt  }
0x6c: {  	_ =	shalt  }
0x6d: {  	_ =	shalt  }
0x6e: {  	_ =	shalt  }
0x6f: {  	_ =	shalt  }
0x70: {  	_ =	shalt  }
0x71: {  	_ =	shalt  }
0x72: {  	_ =	shalt  }
0x73: {  	_ =	shalt  }
0x74: {  	_ =	shalt  }
0x75: {  	_ =	shalt  }
0x76: {  	_ =	shalt  }
0x77: {  	_ =	shalt  }
0x78: {  	_ =	shalt  }
0x79: {  	_ =	shalt  }
0x7a: {  	_ =	shalt  }
0x7b: {  	_ =	shalt  }
0x7c: {  	_ =	shalt  }
0x7d: {  	_ =	shalt  }
0x7e: {  	_ =	shalt  }
0x7f: {  	_ =	shalt  }
0x80: {  	_ =	shalt  }
0x81: {  	_ =	shalt  }
0x82: {  	_ =	shalt  }
0x83: {  	_ =	shalt  }
0x84: {  	_ =	shalt  }
0x85: {  	_ =	shalt  }
0x86: {  	_ =	shalt  }
0x87: {  	_ =	shalt  }
.Lfunc_end0:
.L_simem_size_0:
called_computation_lowered:
.L_overlay_start_0:
0x88: {  	s2 =	sld [smem:$0x3FD9]  }
0x89: {  	s3 =	sld [smem:$0x3FFE];
	_ =	sdelay $0x1  }
0x8a: {  	s1 =	srdreg.scid  }
0x8b: {  	s0 =	sand.u32 $0x1, s1  }
0x8c: {  	s17 =	sshll.u32 s0, $0xA;
	s2 =	sadd.s32 s3, s2  }
0x8d: {  	s2 =	sadd.s32 s2, s17  }
0x8e: {  	[smem:$0x3FC2] =	sst s2  }
0x8f: {  	_ = 	snop  }
0x90: {  	s2 =	sld [smem:$0x3FD0];
	(tm) =	ssettm $0x1  }
0x91: {  	s18 =	sld [smem:$0x3FFB];
	_ =	sdelay $0x3  }
0x92: {  	_ =	strace s18  }
0x93: {  	s3 =	sld [smem:$0x3FFC];
	_ =	sdelay $0x3  }
0x94: {  	_ =	strace s3  }
0x95: {  	s3 =	sld [smem:$0x3FFD];
	_ =	sdelay $0x3  }
0x96: {  	_ =	strace s3  }
0x97: {  	_ =	strace $0x8FFFFFFF  }
0x98: {  	s19 =	sld [smem:$0x3FDB];
	_ =	sdelay $0x1  }
0x99: {  	s4 =	simm.s32 $_scs_section_size  }
0x9a: {  	s5 =	simm.s32 $_size__tile_overlayer_lowered;
	s6 =	simm.s32 $_tile_overlayer_lowered  }
0x9b: {  	s22 =	simm.s32 $0x1BFF;
	s21 =	sshll.u32 s6, $0x1;
	s3 =	sadd.s32 s4, s19  }
0x9c: {  	s7 =	simm.s32 $0x0;
	s20 =	sshll.u32 s5, $0x1;
	s5 =	sadd.s32 s21, s3  }
0x9d: {  	[timem:s7], [sflag:s22] =	dma.local [hbm:s5], s20  }
0x9e: {  	_ =	swait.ge [sflag:s22], s20  }
0x9f: {  	s4 =	ssub.s32 $0x0, s20;
	[sflag:s22] =	ssyncset.done $0x0  }
0xa0: {  	[sflag:s22] =	ssyncadd.s32 s4;
	_ =	sdelay $0x1  }
0xa1: {  	s23 =	simm.s32 $0x1B8B  }
0xa2: {  	_ =	swait.ge [sflag:s23], $0x1  }
0xa3: {  	[sflag:s23] =	ssyncset.done $0x0  }
0xa4: {  	s25 =	simm.s32 $0x1B8E;
	s24 =	sld [smem:$0x3FFE];
	[sflag:s23] =	ssyncadd.s32 $0xFFFFFFFF  }
0xa5: {  	s26 =	simm.s32 $execute0_lowered;
	[smem:$0x3FD2] =	sst s25  }
0xa6: {  	s5 =	sshll.u32 s26, $0x1;
	_ =	strace $0x80000046;
	[dreg:$0x1] =	wrdreg $0xFFFFFFFF  }
0xa7: {  	s28 =	simm.s32 $_size_execute0_lowered;
	s3 =	sadd.s32 s3, s5;
	[dreg:$0x0] =	wrdreg $0x0  }
0xa8: {  	s5 =	sshll.u32 s28, $0x1;
	[dreg:$0x2] =	wrdreg s3  }
0xa9: {  	[dreg:$0x3] =	wrdreg s5  }
0xaa: {  	[dreg:$0x4] =	wrdreg $0xC0  }
0xab: {  	_ =	task [dreg:s7], $0x5FFFF  }
0xac: {  	[dreg:$0x1] =	wrdreg $0xFFFFFFFF  }
0xad: {  	[dreg:$0x0] =	wrdreg $0x60  }
0xae: {  	[dreg:$0x2] =	wrdreg s24  }
0xaf: {  	[dreg:$0x3] =	wrdreg s2  }
0xb0: {  	[dreg:$0x4] =	wrdreg $0x78000  }
0xb1: {  	[dreg:$0x5] =	wrdreg $0x9  }
0xb2: {  	_ =	task.clear_ibuf [dreg:s7], $0x6FFFF;
	_ =	strace $0x90000046  }
0xb3: {  	s29 =	simm.s32 $0x9;
	_ =	strace $0x80000048  }
0xb4: {  	_ =	swait.ge [sflag:s29], $0x1  }
0xb5: {  	[sflag:s29] =	ssyncadd.s32 $0xFFFFFFFF  }
0xb6: {  	_ =	strace $0x90000048  }
0xb7: {  	_ =	sfence  }
0xb8: {  	s30 =	sld [smem:$0x0];
	_ =	sdelay $0x2  }
0xb9: {  	s31 =	sshll.u32 s1, $0xD;
	s1 =	sshrl.u32 s1, $0x2  }
0xba: {  	s3 =	sand.u32 $0x4000, s31;
	s1 =	sadd.s32 s1, s30  }
0xbb: {  	s0 =	sor.u32 s3, s0;
	s1 =	sshll.u32 s1, $0x11  }
0xbc: {  	s0 =	sor.u32 s1, s0  }
0xbd: {  	s0 =	sadd.s32 $0x8F2B, s0  }
0xbe: {  	[sflag:s0] =	ssyncadd.remote.s32 $0x1  }
0xbf: {  	_ =	sfence.sel $0xFFFF  }
0xc0: {  	[dreg:$0x0] =	wrdreg $0xFFFFFFFF;
	(pc) =	sbr.abs _section_cstart, $3  }
0xc1: {  	[dreg:$0x1] =	wrdreg $0xFFFFFFFF  }
0xc2: {  	_ =	task.clear_ibuf [dreg:s7], $0x2FFFF;
	_ =	strace $0x9FFFFFFF  }
0xc3: {  	(tm) =	ssettm $0x7FFFFFFF  }
tec
execute0_lowered:
.L_overlay_start_1:
0x0: {  	(tag) =	ssettag $0x1  }
0x1: {  	s10 =	rddreg [dreg:$0x0]  }
0x2: {  	s14 =	rddreg [dreg:$0x1]  }
0x3: {  	s2 =	rddreg [dreg:$0x2]  }
0x4: {  	s0 =	rddreg [dreg:$0x3];
	s1 =	stileid.u32  }
0x5: {  	s3 =	simm.s32 $0x0;
	s4 =	srdreg.scid;
	s15 =	smul.u32 $0x2780, s1  }
0x6: {  	[smem:$0x7FF] =	sst s3;
	s16 =	sand.u32 $0x1, s4;
	s29 =	sshll.u32 s1, $0x6  }
0x7: {  	_ =	strace $0x80000047;
	s28 =	sshrl.u32 s15, $0x4;
	s5 =	sshrl.u32 s15, $0x1  }
0x8: {  	s4 =	sadd.s32 s28, s10;
	s6 =	sadd.s32 s5, s2;
	s5 =	sor.u32 $0x1C01, s29  }
0x9: {  	s4 =	sadd.s32 $0x2000, s4;
	s7 =	sshrl.u32 s6, $0x3;
	s6 =	simm.s32 $0x1  }
0xa: {  	[spmem:s7], [sflag:s5] =	dma.local [hbm:s4], $0x278  }
0xb: {  	s9 =	sshll.u32 s1, $0x2;
	s8 =	sshll.u32 s16, $0x6;
	_ =	swait.ge [sflag:s6], $0x278  }
0xc: {  	s8 =	sor.u32 s9, s8;
	s9 =	simm.s32 $0x2800;
	[sflag:s6] =	ssyncset.done $0x0  }
0xd: {  	s11 =	smul.u32 $0x140, s8;
	s8 =	sadd.s32 $0x1600, s10;
	[sflag:s6] =	ssyncadd.s32 $0xFFFFFD88  }
0xe: {  	[tilespmem:s9], [sflag:$0x1] =	stream.linear.gather [hbm4b:s8+s3], $0x5000, $0x38;
	[tilespmem:$0x8BC0] =	vst v63  }
0xf: {  	_ =	swait.ge [sflag:s6], $0x5000  }
0x10: {  	s10 =	sadd.s32 s11, s10;
	[sflag:s6] =	ssyncset.done $0x0  }
0x11: {  	s10 =	sadd.s32 $0x4800, s10;
	[sflag:s6] =	ssyncadd.s32 $0xFFFFB000  }
0x12: {  	[tilespmem:s3], [sflag:$0x1] =	stream.linear.gather [hbm4b:s10+s3], $0x2800, $0x38;
	[tilespmem:$0x8BC0] =	vst v63  }
0x13: {  	_ =	swait.ge [sflag:s6], $0x2800  }
0x14: {  	[sflag:s6] =	ssyncset.done $0x0  }
0x15: {  	[sflag:s6] =	ssyncadd.s32 $0xFFFFD800  }
0x16: {  	s11 =	simm.s32 $0xA00;
	[bflag:$0x0] =	sbarrier.arrive $0xFFFF  }
0x17: {  	[spmem:s2] =	stream.indirect.scatter.add.bf16 [tilespmem:s9], [sflag:$0x1], $0x8, s3, s11, $0xb8;
	[tilespmem:$0x8BC0] =	vst v63  }
0x18: {  	_ =	swait.ge [sflag:s6], $0x5000  }
0x19: {  	[sflag:s6] =	ssyncset.done $0x0  }
0x1a: {  	[sflag:s6] =	ssyncadd.s32 $0xFFFFB000  }
0x1b: {  	[spmem:s2] =	stream.indirect.scatter.add.bf16 [tilespmem:s9], [sflag:$0x1], $0x8, s11, s11, $0xb8;
	[tilespmem:$0x8BC0] =	vst v63  }
0x1c: {  	_ =	swait.ge [sflag:s6], $0x5000  }
0x1d: {  	[sflag:s6] =	ssyncset.done $0x0  }
0x1e: {  	s12 =	simm.s32 $0x1400;
	[sflag:s6] =	ssyncadd.s32 $0xFFFFB000  }
0x1f: {  	[spmem:s2] =	stream.indirect.scatter.add.bf16 [tilespmem:s9], [sflag:$0x1], $0x8, s12, s11, $0xb8;
	[tilespmem:$0x8BC0] =	vst v63  }
0x20: {  	s17 =	smul.u32 $0x27800, s16;
	s16 =	ssub.s32 $0x2, s16;
	_ =	swait.ge [sflag:s6], $0x5000  }
0x21: {  	s30 =	sshrl.u32 s16, $0x1;
	[sflag:s6] =	ssyncset.done $0x0  }
0x22: {  	s13 =	simm.s32 $0x1E00;
	s16 =	ssub.s32 s16, s30;
	[sflag:s6] =	ssyncadd.s32 $0xFFFFB000  }
0x23: {  	[spmem:s2] =	stream.indirect.scatter.add.bf16 [tilespmem:s9], [sflag:$0x1], $0x8, s13, s11, $0xb8;
	[tilespmem:$0x8BC0] =	vst v63  }
0x24: {  	s31 =	smax.u32 s16, $0x1;
	_ =	swait.ge [sflag:s6], $0x5000  }
0x25: {  	s15 =	sadd.s32 s15, s17;
	p0 =	sne.s32 s31, $0x1;
	[sflag:s6] =	ssyncset.done $0x0  }
.Ltmp0:
0x26: {  	s15 =	sshrl.u32 s15, $0x4;
	[sflag:s6] =	ssyncadd.s32 $0xFFFFB000;
	(pc) =	sbr.rel @!p0 .LBB2_2-.Ltmp0, $4  }
0x27: {  	s14 =	sadd.s32 s14, s15;
	[bflag:$0x0] =	sbarrier.arrive $0xFFFF  }
0x28: {  	[hbm:s14], [sflag:s5] =	dma.local [spmem:s7], $0x278  }
0x29: {  	_ =	swait.ge [sflag:s6], $0x278  }
0x2a: {  	s15 =	sadd.s32 $0xFFFFFFFF, s31;
	[sflag:s6] =	ssyncset.done $0x0  }
.LBB2_1:
0x2b: {  	p0 =	sne.s32 s15, $0x1;
	s15 =	sadd.s32 $0xFFFFFFFF, s15;
	[sflag:s6] =	ssyncadd.s32 $0xFFFFFD88  }
0x2c: {  	[spmem:s7], [sflag:s5] =	dma.local [hbm:s4], $0x278  }
0x2d: {  	_ =	swait.ge [sflag:s6], $0x278  }
0x2e: {  	[sflag:s6] =	ssyncset.done $0x0  }
0x2f: {  	[sflag:s6] =	ssyncadd.s32 $0xFFFFFD88  }
0x30: {  	[tilespmem:s9], [sflag:$0x1] =	stream.linear.gather [hbm4b:s8+s3], $0x5000, $0x38;
	[tilespmem:$0x8BC0] =	vst v63  }
0x31: {  	_ =	swait.ge [sflag:s6], $0x5000  }
0x32: {  	[sflag:s6] =	ssyncset.done $0x0  }
0x33: {  	[sflag:s6] =	ssyncadd.s32 $0xFFFFB000  }
0x34: {  	[tilespmem:s3], [sflag:$0x1] =	stream.linear.gather [hbm4b:s10+s3], $0x2800, $0x38;
	[tilespmem:$0x8BC0] =	vst v63  }
0x35: {  	_ =	swait.ge [sflag:s6], $0x2800  }
0x36: {  	[sflag:s6] =	ssyncset.done $0x0  }
0x37: {  	[sflag:s6] =	ssyncadd.s32 $0xFFFFD800  }
0x38: {  	[bflag:$0x0] =	sbarrier.arrive $0xFFFF  }
0x39: {  	[spmem:s2] =	stream.indirect.scatter.add.bf16 [tilespmem:s9], [sflag:$0x1], $0x8, s3, s11, $0xb8;
	[tilespmem:$0x8BC0] =	vst v63  }
0x3a: {  	_ =	swait.ge [sflag:s6], $0x5000  }
0x3b: {  	[sflag:s6] =	ssyncset.done $0x0  }
0x3c: {  	[sflag:s6] =	ssyncadd.s32 $0xFFFFB000  }
0x3d: {  	[spmem:s2] =	stream.indirect.scatter.add.bf16 [tilespmem:s9], [sflag:$0x1], $0x8, s11, s11, $0xb8;
	[tilespmem:$0x8BC0] =	vst v63  }
0x3e: {  	_ =	swait.ge [sflag:s6], $0x5000  }
0x3f: {  	[sflag:s6] =	ssyncset.done $0x0  }
0x40: {  	[sflag:s6] =	ssyncadd.s32 $0xFFFFB000  }
0x41: {  	[spmem:s2] =	stream.indirect.scatter.add.bf16 [tilespmem:s9], [sflag:$0x1], $0x8, s12, s11, $0xb8;
	[tilespmem:$0x8BC0] =	vst v63  }
0x42: {  	_ =	swait.ge [sflag:s6], $0x5000  }
0x43: {  	[sflag:s6] =	ssyncset.done $0x0  }
0x44: {  	[sflag:s6] =	ssyncadd.s32 $0xFFFFB000  }
0x45: {  	[spmem:s2] =	stream.indirect.scatter.add.bf16 [tilespmem:s9], [sflag:$0x1], $0x8, s13, s11, $0xb8;
	[tilespmem:$0x8BC0] =	vst v63  }
0x46: {  	_ =	swait.ge [sflag:s6], $0x5000  }
0x47: {  	[sflag:s6] =	ssyncset.done $0x0  }
.Ltmp1:
0x48: {  	[sflag:s6] =	ssyncadd.s32 $0xFFFFB000;
	(pc) =	sbr.rel @p0 .LBB2_1-.Ltmp1, $4  }
0x49: {  	[bflag:$0x0] =	sbarrier.arrive $0xFFFF  }
0x4a: {  	[hbm:s14], [sflag:s5] =	dma.local [spmem:s7], $0x278  }
0x4b: {  	_ =	swait.ge [sflag:s6], $0x278  }
0x4c: {  	[sflag:s6] =	ssyncset.done $0x0  }
.LBB2_2:
0x4d: {  	[sflag:s6] =	ssyncadd.s32 $0xFFFFFD88  }
0x4e: {  	_ =	sfence.sel $0x180000  }
0x4f: {  	[bflag:$0x0] =	sbarrier.arrive $0xFFFF  }
0x50: {  	p0 =	sne.s32 s1, $0x0;
	_ =	strace $0x90000047  }
0x51: {  	s0 =	sadd.s32 @!p0 $0x100000, s0;
	[bflag:$0x2] =	sbarrier.arrive $0xFFFF  }
0x52: {  	[sflag:s0] =	ssyncadd.tile.s32 @!p0 $0x1;
	_ =	shalt  }
.Lfunc_end2:
_tile_overlayer_lowered:
.L_overlay_start_2:
0x53: {  	(tag) =	ssettag $0x2  }
0x54: {  	s0 =	rddreg [dreg:$0x0];
	s2 =	stileid.u32  }
0x55: {  	s1 =	rddreg [dreg:$0x1];
	p0 =	sne.s32 s2, $0x0  }
0x56: {  	s3 =	rddreg [dreg:$0x2];
	[bflag:$0x3] =	sbarrier.arrive $0xFFFF;
	s2 =	simm.s32 @!p0 $0x1C01  }
0x57: {  	[timem:s3], [sflag:s2] =	dma.local @!p0 [hbm:s0], s1  }
0x58: {  	s0 =	simm.s32 @!p0 $0x1  }
0x59: {  	_ =	swait.ge @!p0 [sflag:s0], s1  }
0x5a: {  	s1 =	ssub.s32 @!p0 $0x0, s1;
	[sflag:s0] =	ssyncset.done @!p0 $0x0  }
0x5b: {  	[sflag:s0] =	ssyncadd.s32 @!p0 s1  }
0x5c: {  	[bflag:$0x3] =	sbarrier.arrive $0xFFFF  }
0x5d: {  	_ =	shalt  }

</sc_bundles>
